<compile_context>
chip_gen: v7x
topology: tpu7x:2x2x1
jax: 0.10.2.dev20260603
libtpu: 0.0.44.dev20260713+nightly
codegen_flags: <defaults>
</compile_context>

<pallas_src>
import jax
import jax.numpy as jnp
from jax import lax
from jax.experimental import pallas as pl
from jax.experimental.pallas import tpu as pltpu
from jax.experimental.pallas import tpu_sc as plsc

N_NODES = 10000
N_EDGES = 320000
D_FEAT = 128

NC = 2
NS = 16
NW = NC * NS
L = 16

EW = N_EDGES // NW
C = 80
NCHUNK = EW // C
NGROUP = C // L


def _tec_body(z_hbm, ei_hbm, out_hbm, z_sh,
              idx_s0, idx_d0, idx_s1, idx_d1,
              rows_s0, rows_d0, rows_s1, rows_d1,
              out0, out1,
              sem_i0, sem_i1, sem_r0, sem_r1, sem_o0, sem_o1):
    sid = lax.axis_index("s")
    wid = sid * NC + lax.axis_index("c")
    base = wid * EW

    idx_bufs = ((idx_s0, idx_d0), (idx_s1, idx_d1))
    rows_bufs = ((rows_s0, rows_d0), (rows_s1, rows_d1))
    outs = (out0, out1)
    sem_idx = (sem_i0, sem_i1)
    sem_rows = (sem_r0, sem_r1)
    sem_out = (sem_o0, sem_o1)
    iota = lax.iota(jnp.int32, L)

    def issue_idx(g, b):
        off = base + g * C
        pltpu.async_copy(ei_hbm.at[pl.ds(off, C)], idx_bufs[b][0],
                         sem_idx[b])
        pltpu.async_copy(ei_hbm.at[pl.ds(N_EDGES + off, C)], idx_bufs[b][1],
                         sem_idx[b])

    def wait_idx(b):
        pltpu.make_async_copy(ei_hbm.at[pl.ds(0, C)], idx_bufs[b][0],
                              sem_idx[b]).wait()
        pltpu.make_async_copy(ei_hbm.at[pl.ds(0, C)], idx_bufs[b][1],
                              sem_idx[b]).wait()

    def issue_gather(b):
        pltpu.async_copy(z_sh.at[idx_bufs[b][0]], rows_bufs[b][0], sem_rows[b])
        pltpu.async_copy(z_sh.at[idx_bufs[b][1]], rows_bufs[b][1], sem_rows[b])

    def wait_gather(b):
        pltpu.make_async_copy(z_hbm.at[pl.ds(0, C)], rows_bufs[b][0],
                              sem_rows[b]).wait()
        pltpu.make_async_copy(z_hbm.at[pl.ds(0, C)], rows_bufs[b][1],
                              sem_rows[b]).wait()

    def issue_out(g, b):
        pltpu.async_copy(outs[b], out_hbm.at[pl.ds(base + g * C, C)],
                         sem_out[b])

    def wait_out(b):
        pltpu.make_async_copy(outs[b], out_hbm.at[pl.ds(0, C)],
                              sem_out[b]).wait()

    def compute(b):
        src_rows, dst_rows = rows_bufs[b]
        out_buf = outs[b]

        @plsc.parallel_loop(0, NGROUP, 1)
        def _(gi):
            gbase = gi * L

            def edge_body(j, acc):
                e = gbase + j
                p = src_rows[e, pl.ds(0, L)] * dst_rows[e, pl.ds(0, L)]
                for kk in range(1, D_FEAT // L):
                    p = p + (src_rows[e, pl.ds(kk * L, L)]
                             * dst_rows[e, pl.ds(kk * L, L)])
                return jnp.where(iota == j, jnp.sum(p), acc)

            acc = lax.fori_loop(0, L, edge_body,
                                jnp.zeros((L,), jnp.float32), unroll=4)
            out = 1.0 / (1.0 + jnp.exp(-acc))
            out_buf[pl.ds(gbase, L)] = out

    def sub_iter(g, b):
        wait_gather(b)

        @pl.when(g + 2 < NCHUNK)
        def _():
            issue_idx(g + 2, b)

        @pl.when(g + 1 < NCHUNK)
        def _():
            wait_idx(1 - b)
            issue_gather(1 - b)

        @pl.when(g >= 2)
        def _():
            wait_out(b)

        compute(b)
        issue_out(g, b)

    @pl.when(sid < NS - 1)
    def _():
        pltpu.sync_copy(z_hbm.at[pl.ds(sid * 632, 632)],
                        z_sh.at[pl.ds(sid * 632, 632)])

    @pl.when(sid == NS - 1)
    def _():
        pltpu.sync_copy(z_hbm.at[pl.ds(9480, 520)],
                        z_sh.at[pl.ds(9480, 520)])

    issue_idx(0, 0)
    issue_idx(1, 1)
    plsc.subcore_barrier()
    wait_idx(0)
    issue_gather(0)

    def pair_body(i, carry):
        sub_iter(2 * i, 0)
        sub_iter(2 * i + 1, 1)
        return carry

    lax.fori_loop(0, NCHUNK // 2, pair_body, 0, unroll=False)
    sub_iter(NCHUNK - 1, 0)

    wait_out(1)
    wait_out(0)


@jax.jit
def _gae_decode(z, edge_index):
    mesh = plsc.VectorSubcoreMesh(core_axis_name="c", subcore_axis_name="s")
    k = pl.kernel(
        _tec_body,
        out_type=jax.ShapeDtypeStruct((N_EDGES,), jnp.float32),
        mesh=mesh,
        compiler_params=pltpu.CompilerParams(needs_layout_passes=False),
        scratch_types=[
            pltpu.VMEM_SHARED((N_NODES, D_FEAT), jnp.float32),
            pltpu.VMEM((C,), jnp.int32),
            pltpu.VMEM((C,), jnp.int32),
            pltpu.VMEM((C,), jnp.int32),
            pltpu.VMEM((C,), jnp.int32),
            pltpu.VMEM((C, D_FEAT), jnp.float32),
            pltpu.VMEM((C, D_FEAT), jnp.float32),
            pltpu.VMEM((C, D_FEAT), jnp.float32),
            pltpu.VMEM((C, D_FEAT), jnp.float32),
            pltpu.VMEM((C,), jnp.float32),
            pltpu.VMEM((C,), jnp.float32),
            pltpu.SemaphoreType.DMA,
            pltpu.SemaphoreType.DMA,
            pltpu.SemaphoreType.DMA,
            pltpu.SemaphoreType.DMA,
            pltpu.SemaphoreType.DMA,
            pltpu.SemaphoreType.DMA,
        ],
    )
    return k(z, edge_index)


def kernel(z, edge_index):
    return _gae_decode(z, edge_index.reshape(-1))

# --- scband reference (transcript-rebuilt; emitter-appended) ---
"""Pipeline reference for scband-gae-40853728920140 (READ-ONLY COPY).

The authoritative reference and input builder live on the scoring server;
editing this copy changes nothing except your own understanding.
"""

import jax, jax.numpy as jnp
import numpy as np

N_NODES = 10000
N_EDGES = 320000
D_FEAT = 128


def setup_inputs(seed: int = 0) -> dict:
    key = jax.random.key(seed)
    k1, k2 = jax.random.split(key)
    z = jax.random.normal(k1, (N_NODES, D_FEAT), dtype=jnp.float32)
    edge_index = jax.random.randint(k2, (2, N_EDGES), 0, N_NODES, dtype=jnp.int32)
    return {"z": z, "edge_index": edge_index}


def reference(z, edge_index):
    # GAE with InnerProductDecoder: decode edge scores via inner product of
    # source/destination node embeddings, followed by sigmoid.
    src = jnp.take(z, edge_index[0], axis=0)
    dst = jnp.take(z, edge_index[1], axis=0)
    value = jnp.sum(src * dst, axis=1)
    return jax.nn.sigmoid(value)

if __name__ == "__main__":
    import jax
    _d = setup_inputs()
    print(jax.jit(kernel)(*tuple(_d.values())))

</pallas_src>

<mosaic_0001>
#map = affine_map<(d0, d1) -> (0, 0)>
#map1 = affine_map<(d0, d1) -> (0)>
module attributes {stable_mosaic.version = 14 : i64} {
  func.func @_tec_body(%arg0: i32, %arg1: i32, %arg2: memref<10000x128xf32, #tpu.memory_space<hbm>>, %arg3: memref<640000xi32, #tpu.memory_space<hbm>>, %arg4: memref<320000xf32, #tpu.memory_space<hbm>>, %arg5: memref<10000x128xf32, #tpu.memory_space<vmem_shared>>, %arg6: memref<80xi32, #tpu.memory_space<vmem>>, %arg7: memref<80xi32, #tpu.memory_space<vmem>>, %arg8: memref<80xi32, #tpu.memory_space<vmem>>, %arg9: memref<80xi32, #tpu.memory_space<vmem>>, %arg10: memref<80x128xf32, #tpu.memory_space<vmem>>, %arg11: memref<80x128xf32, #tpu.memory_space<vmem>>, %arg12: memref<80x128xf32, #tpu.memory_space<vmem>>, %arg13: memref<80x128xf32, #tpu.memory_space<vmem>>, %arg14: memref<80xf32, #tpu.memory_space<vmem>>, %arg15: memref<80xf32, #tpu.memory_space<vmem>>, %arg16: memref<!tpu.dma_semaphore, #tpu.memory_space<semaphore_mem>>, %arg17: memref<!tpu.dma_semaphore, #tpu.memory_space<semaphore_mem>>, %arg18: memref<!tpu.dma_semaphore, #tpu.memory_space<semaphore_mem>>, %arg19: memref<!tpu.dma_semaphore, #tpu.memory_space<semaphore_mem>>, %arg20: memref<!tpu.dma_semaphore, #tpu.memory_space<semaphore_mem>>, %arg21: memref<!tpu.dma_semaphore, #tpu.memory_space<semaphore_mem>>) attributes {dimension_semantics = [#tpu.dimension_semantics<core_parallel>, #tpu.dimension_semantics<subcore_parallel>], iteration_bounds = array<i64: 2, 16>, scalar_prefetch = 0 : i64, scratch_operands = 17 : i64, tpu.core_type = #tpu.core_type<sc_vector_subcore>, window_params = [{transform_indices = #map}, {transform_indices = #map1}, {transform_indices = #map1}]} {
    %mul3A = arith.constant 2 : i32
    %mul3A_0 = arith.muli %arg1, %mul3A : i32
    %add3A = arith.addi %mul3A_0, %arg0 : i32
    %mul3A_1 = arith.constant 10000 : i32
    %mul3A_2 = arith.muli %add3A, %mul3A_1 : i32
    %iota3A = tpu.iota {dimensions = array<i32: 0>} : vector<16xi32>
    %lt3A = arith.constant 15 : i32
    %lt3A_3 = arith.cmpi slt, %arg1, %lt3A : i32
    %convert_element_type3A = arith.extui %lt3A_3 : i1 to i32
    %cond3A = arith.constant 0 : i32
    %cond3A_4 = arith.cmpi ne, %convert_element_type3A, %cond3A : i32
    scf.if %cond3A_4 {
      %mul3A_72 = arith.constant 632 : i32
      %mul3A_73 = arith.muli %arg1, %mul3A_72 : i32
      %mul3A_74 = arith.constant 632 : i32
      %mul3A_75 = arith.muli %arg1, %mul3A_74 : i32
      "tpu.region"() ({
        %run_scoped3A = tpu.sem_alloc : memref<!tpu.dma_semaphore, #tpu.memory_space<semaphore_mem>>
        %dma_start3A_76 = arith.constant 0 : i32
        %dma_start3A_77 = tpu.memref_slice %arg5[%mul3A_75, %dma_start3A_76] : memref<10000x128xf32, #tpu.memory_space<vmem_shared>> -> memref<632x128xf32, #tpu.memory_space<vmem_shared>>
        %dma_start3A_78 = arith.constant 0 : i32
        %dma_start3A_79 = tpu.memref_slice %arg2[%mul3A_73, %dma_start3A_78] : memref<10000x128xf32, #tpu.memory_space<hbm>> -> memref<632x128xf32, #tpu.memory_space<hbm>>
        tpu.enqueue_dma source(%dma_start3A_79 : memref<632x128xf32, #tpu.memory_space<hbm>>) target(%dma_start3A_77 : memref<632x128xf32, #tpu.memory_space<vmem_shared>>) target_semaphore(%run_scoped3A : memref<!tpu.dma_semaphore, #tpu.memory_space<semaphore_mem>>)
        %dma_wait3A_80 = arith.constant 0 : i32
        %dma_wait3A_81 = tpu.memref_slice %arg5[%mul3A_75, %dma_wait3A_80] : memref<10000x128xf32, #tpu.memory_space<vmem_shared>> -> memref<632x128xf32, #tpu.memory_space<vmem_shared>>
        %dma_wait3A_82 = arith.constant 0 : i32
        %dma_wait3A_83 = tpu.memref_slice %arg2[%mul3A_73, %dma_wait3A_82] : memref<10000x128xf32, #tpu.memory_space<hbm>> -> memref<632x128xf32, #tpu.memory_space<hbm>>
        tpu.wait_dma2 semaphore(%run_scoped3A : memref<!tpu.dma_semaphore, #tpu.memory_space<semaphore_mem>>) src(%dma_wait3A_83 : memref<632x128xf32, #tpu.memory_space<hbm>>) dst(%dma_wait3A_81 : memref<632x128xf32, #tpu.memory_space<vmem_shared>>)
        tpu.yield
      }) : () -> ()
    } else {
    }
    %eq3A = arith.constant 15 : i32
    %eq3A_5 = arith.cmpi eq, %arg1, %eq3A : i32
    %convert_element_type3A_6 = arith.extui %eq3A_5 : i1 to i32
    %cond3A_7 = arith.constant 0 : i32
    %cond3A_8 = arith.cmpi ne, %convert_element_type3A_6, %cond3A_7 : i32
    scf.if %cond3A_8 {
      "tpu.region"() ({
        %run_scoped3A = tpu.sem_alloc : memref<!tpu.dma_semaphore, #tpu.memory_space<semaphore_mem>>
        %dma_start3A_72 = arith.constant 9480 : i32
        %dma_start3A_73 = arith.constant 0 : i32
        %dma_start3A_74 = tpu.memref_slice %arg5[%dma_start3A_72, %dma_start3A_73] : memref<10000x128xf32, #tpu.memory_space<vmem_shared>> -> memref<520x128xf32, #tpu.memory_space<vmem_shared>>
        %dma_start3A_75 = arith.constant 9480 : i32
        %dma_start3A_76 = arith.constant 0 : i32
        %dma_start3A_77 = tpu.memref_slice %arg2[%dma_start3A_75, %dma_start3A_76] : memref<10000x128xf32, #tpu.memory_space<hbm>> -> memref<520x128xf32, #tpu.memory_space<hbm>>
        tpu.enqueue_dma source(%dma_start3A_77 : memref<520x128xf32, #tpu.memory_space<hbm>>) target(%dma_start3A_74 : memref<520x128xf32, #tpu.memory_space<vmem_shared>>) target_semaphore(%run_scoped3A : memref<!tpu.dma_semaphore, #tpu.memory_space<semaphore_mem>>)
        %dma_wait3A_78 = arith.constant 9480 : i32
        %dma_wait3A_79 = arith.constant 0 : i32
        %dma_wait3A_80 = tpu.memref_slice %arg5[%dma_wait3A_78, %dma_wait3A_79] : memref<10000x128xf32, #tpu.memory_space<vmem_shared>> -> memref<520x128xf32, #tpu.memory_space<vmem_shared>>
        %dma_wait3A_81 = arith.constant 9480 : i32
        %dma_wait3A_82 = arith.constant 0 : i32
        %dma_wait3A_83 = tpu.memref_slice %arg2[%dma_wait3A_81, %dma_wait3A_82] : memref<10000x128xf32, #tpu.memory_space<hbm>> -> memref<520x128xf32, #tpu.memory_space<hbm>>
        tpu.wait_dma2 semaphore(%run_scoped3A : memref<!tpu.dma_semaphore, #tpu.memory_space<semaphore_mem>>) src(%dma_wait3A_83 : memref<520x128xf32, #tpu.memory_space<hbm>>) dst(%dma_wait3A_80 : memref<520x128xf32, #tpu.memory_space<vmem_shared>>)
        tpu.yield
      }) : () -> ()
    } else {
    }
    %add3A_9 = arith.constant 0 : i32
    %add3A_10 = arith.addi %mul3A_2, %add3A_9 : i32
    %dma_start3A = tpu.memref_slice %arg3[%add3A_10] : memref<640000xi32, #tpu.memory_space<hbm>> -> memref<80xi32, #tpu.memory_space<hbm>>
    %dma_start3A_11 = tpu.memref_slice %arg3[%add3A_10] : memref<640000xi32, #tpu.memory_space<hbm>> -> memref<80xi32, #tpu.memory_space<hbm>>
    tpu.enqueue_dma source(%dma_start3A_11 : memref<80xi32, #tpu.memory_space<hbm>>) target(%arg6 : memref<80xi32, #tpu.memory_space<vmem>>) target_semaphore(%arg16 : memref<!tpu.dma_semaphore, #tpu.memory_space<semaphore_mem>>)
    %add3A_12 = arith.constant 320000 : i32
    %add3A_13 = arith.addi %add3A_12, %add3A_10 : i32
    %dma_start3A_14 = tpu.memref_slice %arg3[%add3A_13] : memref<640000xi32, #tpu.memory_space<hbm>> -> memref<80xi32, #tpu.memory_space<hbm>>
    %dma_start3A_15 = tpu.memref_slice %arg3[%add3A_13] : memref<640000xi32, #tpu.memory_space<hbm>> -> memref<80xi32, #tpu.memory_space<hbm>>
    tpu.enqueue_dma source(%dma_start3A_15 : memref<80xi32, #tpu.memory_space<hbm>>) target(%arg7 : memref<80xi32, #tpu.memory_space<vmem>>) target_semaphore(%arg16 : memref<!tpu.dma_semaphore, #tpu.memory_space<semaphore_mem>>)
    %add3A_16 = arith.constant 80 : i32
    %add3A_17 = arith.addi %mul3A_2, %add3A_16 : i32
    %dma_start3A_18 = tpu.memref_slice %arg3[%add3A_17] : memref<640000xi32, #tpu.memory_space<hbm>> -> memref<80xi32, #tpu.memory_space<hbm>>
    %dma_start3A_19 = tpu.memref_slice %arg3[%add3A_17] : memref<640000xi32, #tpu.memory_space<hbm>> -> memref<80xi32, #tpu.memory_space<hbm>>
    tpu.enqueue_dma source(%dma_start3A_19 : memref<80xi32, #tpu.memory_space<hbm>>) target(%arg8 : memref<80xi32, #tpu.memory_space<vmem>>) target_semaphore(%arg17 : memref<!tpu.dma_semaphore, #tpu.memory_space<semaphore_mem>>)
    %add3A_20 = arith.constant 320000 : i32
    %add3A_21 = arith.addi %add3A_20, %add3A_17 : i32
    %dma_start3A_22 = tpu.memref_slice %arg3[%add3A_21] : memref<640000xi32, #tpu.memory_space<hbm>> -> memref<80xi32, #tpu.memory_space<hbm>>
    %dma_start3A_23 = tpu.memref_slice %arg3[%add3A_21] : memref<640000xi32, #tpu.memory_space<hbm>> -> memref<80xi32, #tpu.memory_space<hbm>>
    tpu.enqueue_dma source(%dma_start3A_23 : memref<80xi32, #tpu.memory_space<hbm>>) target(%arg9 : memref<80xi32, #tpu.memory_space<vmem>>) target_semaphore(%arg17 : memref<!tpu.dma_semaphore, #tpu.memory_space<semaphore_mem>>)
    %barrier3A = arith.constant 0 : index
    tpu.barrier barrier_id(%barrier3A)
    %dma_wait3A = arith.constant 0 : i32
    %dma_wait3A_24 = tpu.memref_slice %arg3[%dma_wait3A] : memref<640000xi32, #tpu.memory_space<hbm>> -> memref<80xi32, #tpu.memory_space<hbm>>
    %dma_wait3A_25 = arith.constant 0 : i32
    %dma_wait3A_26 = tpu.memref_slice %arg3[%dma_wait3A_25] : memref<640000xi32, #tpu.memory_space<hbm>> -> memref<80xi32, #tpu.memory_space<hbm>>
    tpu.wait_dma2 semaphore(%arg16 : memref<!tpu.dma_semaphore, #tpu.memory_space<semaphore_mem>>) src(%dma_wait3A_26 : memref<80xi32, #tpu.memory_space<hbm>>) dst(%arg6 : memref<80xi32, #tpu.memory_space<vmem>>)
    %dma_wait3A_27 = arith.constant 0 : i32
    %dma_wait3A_28 = tpu.memref_slice %arg3[%dma_wait3A_27] : memref<640000xi32, #tpu.memory_space<hbm>> -> memref<80xi32, #tpu.memory_space<hbm>>
    %dma_wait3A_29 = arith.constant 0 : i32
    %dma_wait3A_30 = tpu.memref_slice %arg3[%dma_wait3A_29] : memref<640000xi32, #tpu.memory_space<hbm>> -> memref<80xi32, #tpu.memory_space<hbm>>
    tpu.wait_dma2 semaphore(%arg16 : memref<!tpu.dma_semaphore, #tpu.memory_space<semaphore_mem>>) src(%dma_wait3A_30 : memref<80xi32, #tpu.memory_space<hbm>>) dst(%arg7 : memref<80xi32, #tpu.memory_space<vmem>>)
    %dma_start3A_31 = arith.constant 0 : i32
    %dma_start3A_32 = arith.constant 0 : i32
    %dma_start3A_33 = tpu.memref_slice %arg5[%dma_start3A_31, %dma_start3A_32] : memref<10000x128xf32, #tpu.memory_space<vmem_shared>> -> memref<10000x128xf32, #tpu.memory_space<vmem_shared>>
    tpu.enqueue_indirect_dma source(%dma_start3A_33 : memref<10000x128xf32, #tpu.memory_space<vmem_shared>>) target(%arg10 : memref<80x128xf32, #tpu.memory_space<vmem>>) offsets(%arg6 : memref<80xi32, #tpu.memory_space<vmem>>) semaphore(%arg18 : memref<!tpu.dma_semaphore, #tpu.memory_space<semaphore_mem>>)
    %dma_start3A_34 = arith.constant 0 : i32
    %dma_start3A_35 = arith.constant 0 : i32
    %dma_start3A_36 = tpu.memref_slice %arg5[%dma_start3A_34, %dma_start3A_35] : memref<10000x128xf32, #tpu.memory_space<vmem_shared>> -> memref<10000x128xf32, #tpu.memory_space<vmem_shared>>
    tpu.enqueue_indirect_dma source(%dma_start3A_36 : memref<10000x128xf32, #tpu.memory_space<vmem_shared>>) target(%arg11 : memref<80x128xf32, #tpu.memory_space<vmem>>) offsets(%arg7 : memref<80xi32, #tpu.memory_space<vmem>>) semaphore(%arg18 : memref<!tpu.dma_semaphore, #tpu.memory_space<semaphore_mem>>)
    %scan3A = arith.constant 0 : i32
    %scan3A_37 = arith.constant 0 : i32
    %scan3A_38 = arith.constant 62 : i32
    %scan3A_39 = arith.addi %scan3A_37, %scan3A_38 : i32
    %scan3A_40 = arith.constant 1 : i32
    scf.for %scan3A_72 = %scan3A_37 to %scan3A_39 step %scan3A_40  : i32 {
      %mul3A_73 = arith.constant 2 : i32
      %mul3A_74 = arith.muli %mul3A_73, %scan3A_72 : i32
      %dma_wait3A_75 = arith.constant 0 : i32
      %dma_wait3A_76 = arith.constant 0 : i32
      %dma_wait3A_77 = tpu.memref_slice %arg2[%dma_wait3A_75, %dma_wait3A_76] : memref<10000x128xf32, #tpu.memory_space<hbm>> -> memref<80x128xf32, #tpu.memory_space<hbm>>
      %dma_wait3A_78 = arith.constant 0 : i32
      %dma_wait3A_79 = arith.constant 0 : i32
      %dma_wait3A_80 = tpu.memref_slice %arg2[%dma_wait3A_78, %dma_wait3A_79] : memref<10000x128xf32, #tpu.memory_space<hbm>> -> memref<80x128xf32, #tpu.memory_space<hbm>>
      tpu.wait_dma2 semaphore(%arg18 : memref<!tpu.dma_semaphore, #tpu.memory_space<semaphore_mem>>) src(%dma_wait3A_80 : memref<80x128xf32, #tpu.memory_space<hbm>>) dst(%arg10 : memref<80x128xf32, #tpu.memory_space<vmem>>)
      %dma_wait3A_81 = arith.constant 0 : i32
      %dma_wait3A_82 = arith.constant 0 : i32
      %dma_wait3A_83 = tpu.memref_slice %arg2[%dma_wait3A_81, %dma_wait3A_82] : memref<10000x128xf32, #tpu.memory_space<hbm>> -> memref<80x128xf32, #tpu.memory_space<hbm>>
      %dma_wait3A_84 = arith.constant 0 : i32
      %dma_wait3A_85 = arith.constant 0 : i32
      %dma_wait3A_86 = tpu.memref_slice %arg2[%dma_wait3A_84, %dma_wait3A_85] : memref<10000x128xf32, #tpu.memory_space<hbm>> -> memref<80x128xf32, #tpu.memory_space<hbm>>
      tpu.wait_dma2 semaphore(%arg18 : memref<!tpu.dma_semaphore, #tpu.memory_space<semaphore_mem>>) src(%dma_wait3A_86 : memref<80x128xf32, #tpu.memory_space<hbm>>) dst(%arg11 : memref<80x128xf32, #tpu.memory_space<vmem>>)
      %add3A_87 = arith.constant 2 : i32
      %add3A_88 = arith.addi %mul3A_74, %add3A_87 : i32
      %lt3A_89 = arith.constant 125 : i32
      %lt3A_90 = arith.cmpi slt, %add3A_88, %lt3A_89 : i32
      %convert_element_type3A_91 = arith.extui %lt3A_90 : i1 to i32
      %cond3A_92 = arith.constant 0 : i32
      %cond3A_93 = arith.cmpi ne, %convert_element_type3A_91, %cond3A_92 : i32
      scf.if %cond3A_93 {
        %add3A_156 = arith.constant 2 : i32
        %add3A_157 = arith.addi %mul3A_74, %add3A_156 : i32
        %mul3A_158 = arith.constant 80 : i32
        %mul3A_159 = arith.muli %add3A_157, %mul3A_158 : i32
        %add3A_160 = arith.addi %mul3A_2, %mul3A_159 : i32
        %dma_start3A_161 = tpu.memref_slice %arg3[%add3A_160] : memref<640000xi32, #tpu.memory_space<hbm>> -> memref<80xi32, #tpu.memory_space<hbm>>
        %dma_start3A_162 = tpu.memref_slice %arg3[%add3A_160] : memref<640000xi32, #tpu.memory_space<hbm>> -> memref<80xi32, #tpu.memory_space<hbm>>
        tpu.enqueue_dma source(%dma_start3A_162 : memref<80xi32, #tpu.memory_space<hbm>>) target(%arg6 : memref<80xi32, #tpu.memory_space<vmem>>) target_semaphore(%arg16 : memref<!tpu.dma_semaphore, #tpu.memory_space<semaphore_mem>>)
        %add3A_163 = arith.constant 320000 : i32
        %add3A_164 = arith.addi %add3A_163, %add3A_160 : i32
        %dma_start3A_165 = tpu.memref_slice %arg3[%add3A_164] : memref<640000xi32, #tpu.memory_space<hbm>> -> memref<80xi32, #tpu.memory_space<hbm>>
        %dma_start3A_166 = tpu.memref_slice %arg3[%add3A_164] : memref<640000xi32, #tpu.memory_space<hbm>> -> memref<80xi32, #tpu.memory_space<hbm>>
        tpu.enqueue_dma source(%dma_start3A_166 : memref<80xi32, #tpu.memory_space<hbm>>) target(%arg7 : memref<80xi32, #tpu.memory_space<vmem>>) target_semaphore(%arg16 : memref<!tpu.dma_semaphore, #tpu.memory_space<semaphore_mem>>)
      } else {
      }
      %add3A_94 = arith.constant 1 : i32
      %add3A_95 = arith.addi %mul3A_74, %add3A_94 : i32
      %lt3A_96 = arith.constant 125 : i32
      %lt3A_97 = arith.cmpi slt, %add3A_95, %lt3A_96 : i32
      %convert_element_type3A_98 = arith.extui %lt3A_97 : i1 to i32
      %cond3A_99 = arith.constant 0 : i32
      %cond3A_100 = arith.cmpi ne, %convert_element_type3A_98, %cond3A_99 : i32
      scf.if %cond3A_100 {
        %dma_wait3A_156 = arith.constant 0 : i32
        %dma_wait3A_157 = tpu.memref_slice %arg3[%dma_wait3A_156] : memref<640000xi32, #tpu.memory_space<hbm>> -> memref<80xi32, #tpu.memory_space<hbm>>
        %dma_wait3A_158 = arith.constant 0 : i32
        %dma_wait3A_159 = tpu.memref_slice %arg3[%dma_wait3A_158] : memref<640000xi32, #tpu.memory_space<hbm>> -> memref<80xi32, #tpu.memory_space<hbm>>
        tpu.wait_dma2 semaphore(%arg17 : memref<!tpu.dma_semaphore, #tpu.memory_space<semaphore_mem>>) src(%dma_wait3A_159 : memref<80xi32, #tpu.memory_space<hbm>>) dst(%arg8 : memref<80xi32, #tpu.memory_space<vmem>>)
        %dma_wait3A_160 = arith.constant 0 : i32
        %dma_wait3A_161 = tpu.memref_slice %arg3[%dma_wait3A_160] : memref<640000xi32, #tpu.memory_space<hbm>> -> memref<80xi32, #tpu.memory_space<hbm>>
        %dma_wait3A_162 = arith.constant 0 : i32
        %dma_wait3A_163 = tpu.memref_slice %arg3[%dma_wait3A_162] : memref<640000xi32, #tpu.memory_space<hbm>> -> memref<80xi32, #tpu.memory_space<hbm>>
        tpu.wait_dma2 semaphore(%arg17 : memref<!tpu.dma_semaphore, #tpu.memory_space<semaphore_mem>>) src(%dma_wait3A_163 : memref<80xi32, #tpu.memory_space<hbm>>) dst(%arg9 : memref<80xi32, #tpu.memory_space<vmem>>)
        %dma_start3A_164 = arith.constant 0 : i32
        %dma_start3A_165 = arith.constant 0 : i32
        %dma_start3A_166 = tpu.memref_slice %arg5[%dma_start3A_164, %dma_start3A_165] : memref<10000x128xf32, #tpu.memory_space<vmem_shared>> -> memref<10000x128xf32, #tpu.memory_space<vmem_shared>>
        tpu.enqueue_indirect_dma source(%dma_start3A_166 : memref<10000x128xf32, #tpu.memory_space<vmem_shared>>) target(%arg12 : memref<80x128xf32, #tpu.memory_space<vmem>>) offsets(%arg8 : memref<80xi32, #tpu.memory_space<vmem>>) semaphore(%arg19 : memref<!tpu.dma_semaphore, #tpu.memory_space<semaphore_mem>>)
        %dma_start3A_167 = arith.constant 0 : i32
        %dma_start3A_168 = arith.constant 0 : i32
        %dma_start3A_169 = tpu.memref_slice %arg5[%dma_start3A_167, %dma_start3A_168] : memref<10000x128xf32, #tpu.memory_space<vmem_shared>> -> memref<10000x128xf32, #tpu.memory_space<vmem_shared>>
        tpu.enqueue_indirect_dma source(%dma_start3A_169 : memref<10000x128xf32, #tpu.memory_space<vmem_shared>>) target(%arg13 : memref<80x128xf32, #tpu.memory_space<vmem>>) offsets(%arg9 : memref<80xi32, #tpu.memory_space<vmem>>) semaphore(%arg19 : memref<!tpu.dma_semaphore, #tpu.memory_space<semaphore_mem>>)
      } else {
      }
      %ge3A = arith.constant 2 : i32
      %ge3A_101 = arith.cmpi sge, %mul3A_74, %ge3A : i32
      %convert_element_type3A_102 = arith.extui %ge3A_101 : i1 to i32
      %cond3A_103 = arith.constant 0 : i32
      %cond3A_104 = arith.cmpi ne, %convert_element_type3A_102, %cond3A_103 : i32
      scf.if %cond3A_104 {
        %dma_wait3A_156 = arith.constant 0 : i32
        %dma_wait3A_157 = tpu.memref_slice %arg4[%dma_wait3A_156] : memref<320000xf32, #tpu.memory_space<hbm>> -> memref<80xf32, #tpu.memory_space<hbm>>
        %dma_wait3A_158 = arith.constant 0 : i32
        %dma_wait3A_159 = tpu.memref_slice %arg4[%dma_wait3A_158] : memref<320000xf32, #tpu.memory_space<hbm>> -> memref<80xf32, #tpu.memory_space<hbm>>
        tpu.wait_dma2 semaphore(%arg20 : memref<!tpu.dma_semaphore, #tpu.memory_space<semaphore_mem>>) src(%arg14 : memref<80xf32, #tpu.memory_space<vmem>>) dst(%dma_wait3A_159 : memref<80xf32, #tpu.memory_space<hbm>>)
      } else {
      }
      %parallel_loop3A_105 = arith.constant 0 : i32
      %parallel_loop3A_106 = arith.constant 5 : i32
      %parallel_loop3A_107 = arith.constant 1 : i32
      scf.for %parallel_loop3A_156 = %parallel_loop3A_105 to %parallel_loop3A_106 step %parallel_loop3A_107  : i32 {
        %parallel_loop3A_157 = arith.constant 16 : i32
        %parallel_loop3A_158 = arith.muli %parallel_loop3A_156, %parallel_loop3A_157 : i32
        %parallel_loop3A_159 = arith.constant 0.000000e+00 : f32
        %parallel_loop3A_160 = vector.broadcast %parallel_loop3A_159 : f32 to vector<16xf32>
        %parallel_loop3A_161 = arith.constant 0 : i32
        %parallel_loop3A_162 = arith.constant 16 : i32
        %parallel_loop3A_163 = arith.addi %parallel_loop3A_161, %parallel_loop3A_162 : i32
        %parallel_loop3A_164 = arith.constant 4 : i32
        %parallel_loop3A_165 = scf.for %scan3A_179 = %parallel_loop3A_161 to %parallel_loop3A_163 step %parallel_loop3A_164 iter_args(%scan3A_180 = %parallel_loop3A_160) -> (vector<16xf32>)  : i32 {
          %parallel_loop3A_181 = arith.addi %parallel_loop3A_158, %scan3A_179 : i32
          %parallel_loop3A_182 = arith.index_cast %parallel_loop3A_181 : i32 to index
          %parallel_loop3A_183 = arith.constant 0 : index
          %parallel_loop3A_184 = tpu.vector_load %arg10[%parallel_loop3A_182, %parallel_loop3A_183] {strides = array<i32>} : memref<80x128xf32, #tpu.memory_space<vmem>>, vector<16xf32>,
          %parallel_loop3A_185 = arith.index_cast %parallel_loop3A_181 : i32 to index
          %parallel_loop3A_186 = arith.constant 0 : index
          %parallel_loop3A_187 = tpu.vector_load %arg11[%parallel_loop3A_185, %parallel_loop3A_186] {strides = array<i32>} : memref<80x128xf32, #tpu.memory_space<vmem>>, vector<16xf32>,
          %parallel_loop3A_188 = arith.mulf %parallel_loop3A_184, %parallel_loop3A_187 : vector<16xf32>
          %parallel_loop3A_189 = arith.index_cast %parallel_loop3A_181 : i32 to index
          %parallel_loop3A_190 = arith.constant 16 : index
          %parallel_loop3A_191 = tpu.vector_load %arg10[%parallel_loop3A_189, %parallel_loop3A_190] {strides = array<i32>} : memref<80x128xf32, #tpu.memory_space<vmem>>, vector<16xf32>,
          %parallel_loop3A_192 = arith.index_cast %parallel_loop3A_181 : i32 to index
          %parallel_loop3A_193 = arith.constant 16 : index
          %parallel_loop3A_194 = tpu.vector_load %arg11[%parallel_loop3A_192, %parallel_loop3A_193] {strides = array<i32>} : memref<80x128xf32, #tpu.memory_space<vmem>>, vector<16xf32>,
          %parallel_loop3A_195 = arith.mulf %parallel_loop3A_191, %parallel_loop3A_194 : vector<16xf32>
          %parallel_loop3A_196 = arith.addf %parallel_loop3A_188, %parallel_loop3A_195 : vector<16xf32>
          %parallel_loop3A_197 = arith.index_cast %parallel_loop3A_181 : i32 to index
          %parallel_loop3A_198 = arith.constant 32 : index
          %parallel_loop3A_199 = tpu.vector_load %arg10[%parallel_loop3A_197, %parallel_loop3A_198] {strides = array<i32>} : memref<80x128xf32, #tpu.memory_space<vmem>>, vector<16xf32>,
          %parallel_loop3A_200 = arith.index_cast %parallel_loop3A_181 : i32 to index
          %parallel_loop3A_201 = arith.constant 32 : index
          %parallel_loop3A_202 = tpu.vector_load %arg11[%parallel_loop3A_200, %parallel_loop3A_201] {strides = array<i32>} : memref<80x128xf32, #tpu.memory_space<vmem>>, vector<16xf32>,
          %parallel_loop3A_203 = arith.mulf %parallel_loop3A_199, %parallel_loop3A_202 : vector<16xf32>
          %parallel_loop3A_204 = arith.addf %parallel_loop3A_196, %parallel_loop3A_203 : vector<16xf32>
          %parallel_loop3A_205 = arith.index_cast %parallel_loop3A_181 : i32 to index
          %parallel_loop3A_206 = arith.constant 48 : index
          %parallel_loop3A_207 = tpu.vector_load %arg10[%parallel_loop3A_205, %parallel_loop3A_206] {strides = array<i32>} : memref<80x128xf32, #tpu.memory_space<vmem>>, vector<16xf32>,
          %parallel_loop3A_208 = arith.index_cast %parallel_loop3A_181 : i32 to index
          %parallel_loop3A_209 = arith.constant 48 : index
          %parallel_loop3A_210 = tpu.vector_load %arg11[%parallel_loop3A_208, %parallel_loop3A_209] {strides = array<i32>} : memref<80x128xf32, #tpu.memory_space<vmem>>, vector<16xf32>,
          %parallel_loop3A_211 = arith.mulf %parallel_loop3A_207, %parallel_loop3A_210 : vector<16xf32>
          %parallel_loop3A_212 = arith.addf %parallel_loop3A_204, %parallel_loop3A_211 : vector<16xf32>
          %parallel_loop3A_213 = arith.index_cast %parallel_loop3A_181 : i32 to index
          %parallel_loop3A_214 = arith.constant 64 : index
          %parallel_loop3A_215 = tpu.vector_load %arg10[%parallel_loop3A_213, %parallel_loop3A_214] {strides = array<i32>} : memref<80x128xf32, #tpu.memory_space<vmem>>, vector<16xf32>,
          %parallel_loop3A_216 = arith.index_cast %parallel_loop3A_181 : i32 to index
          %parallel_loop3A_217 = arith.constant 64 : index
          %parallel_loop3A_218 = tpu.vector_load %arg11[%parallel_loop3A_216, %parallel_loop3A_217] {strides = array<i32>} : memref<80x128xf32, #tpu.memory_space<vmem>>, vector<16xf32>,
          %parallel_loop3A_219 = arith.mulf %parallel_loop3A_215, %parallel_loop3A_218 : vector<16xf32>
          %parallel_loop3A_220 = arith.addf %parallel_loop3A_212, %parallel_loop3A_219 : vector<16xf32>
          %parallel_loop3A_221 = arith.index_cast %parallel_loop3A_181 : i32 to index
          %parallel_loop3A_222 = arith.constant 80 : index
          %parallel_loop3A_223 = tpu.vector_load %arg10[%parallel_loop3A_221, %parallel_loop3A_222] {strides = array<i32>} : memref<80x128xf32, #tpu.memory_space<vmem>>, vector<16xf32>,
          %parallel_loop3A_224 = arith.index_cast %parallel_loop3A_181 : i32 to index
          %parallel_loop3A_225 = arith.constant 80 : index
          %parallel_loop3A_226 = tpu.vector_load %arg11[%parallel_loop3A_224, %parallel_loop3A_225] {strides = array<i32>} : memref<80x128xf32, #tpu.memory_space<vmem>>, vector<16xf32>,
          %parallel_loop3A_227 = arith.mulf %parallel_loop3A_223, %parallel_loop3A_226 : vector<16xf32>
          %parallel_loop3A_228 = arith.addf %parallel_loop3A_220, %parallel_loop3A_227 : vector<16xf32>
          %parallel_loop3A_229 = arith.index_cast %parallel_loop3A_181 : i32 to index
          %parallel_loop3A_230 = arith.constant 96 : index
          %parallel_loop3A_231 = tpu.vector_load %arg10[%parallel_loop3A_229, %parallel_loop3A_230] {strides = array<i32>} : memref<80x128xf32, #tpu.memory_space<vmem>>, vector<16xf32>,
          %parallel_loop3A_232 = arith.index_cast %parallel_loop3A_181 : i32 to index
          %parallel_loop3A_233 = arith.constant 96 : index
          %parallel_loop3A_234 = tpu.vector_load %arg11[%parallel_loop3A_232, %parallel_loop3A_233] {strides = array<i32>} : memref<80x128xf32, #tpu.memory_space<vmem>>, vector<16xf32>,
          %parallel_loop3A_235 = arith.mulf %parallel_loop3A_231, %parallel_loop3A_234 : vector<16xf32>
          %parallel_loop3A_236 = arith.addf %parallel_loop3A_228, %parallel_loop3A_235 : vector<16xf32>
          %parallel_loop3A_237 = arith.index_cast %parallel_loop3A_181 : i32 to index
          %parallel_loop3A_238 = arith.constant 112 : index
          %parallel_loop3A_239 = tpu.vector_load %arg10[%parallel_loop3A_237, %parallel_loop3A_238] {strides = array<i32>} : memref<80x128xf32, #tpu.memory_space<vmem>>, vector<16xf32>,
          %parallel_loop3A_240 = arith.index_cast %parallel_loop3A_181 : i32 to index
          %parallel_loop3A_241 = arith.constant 112 : index
          %parallel_loop3A_242 = tpu.vector_load %arg11[%parallel_loop3A_240, %parallel_loop3A_241] {strides = array<i32>} : memref<80x128xf32, #tpu.memory_space<vmem>>, vector<16xf32>,
          %parallel_loop3A_243 = arith.mulf %parallel_loop3A_239, %parallel_loop3A_242 : vector<16xf32>
          %parallel_loop3A_244 = arith.addf %parallel_loop3A_236, %parallel_loop3A_243 : vector<16xf32>
          %parallel_loop3A_245 = vector.broadcast %scan3A_179 : i32 to vector<16xi32>
          %parallel_loop3A_246 = arith.cmpi eq, %iota3A, %parallel_loop3A_245 : vector<16xi32>
          %parallel_loop3A_247 = arith.constant true
          %parallel_loop3A_248 = vector.broadcast %parallel_loop3A_247 : i1 to vector<16xi1>
          %parallel_loop3A_249 = tpu.scan <sum>, %parallel_loop3A_244 masked %parallel_loop3A_248 : vector<16xf32>, vector<16xi1> -> vector<16xf32>
          %parallel_loop3A_250 = vector.extract %parallel_loop3A_249[15] : f32 from vector<16xf32>
          %parallel_loop3A_251 = vector.broadcast %parallel_loop3A_250 : f32 to vector<16xf32>
          %parallel_loop3A_252 = arith.select %parallel_loop3A_246, %parallel_loop3A_251, %scan3A_180 : vector<16xi1>, vector<16xf32>
          %parallel_loop3A_253 = arith.constant 1 : i32
          %parallel_loop3A_254 = arith.addi %scan3A_179, %parallel_loop3A_253 : i32
          %parallel_loop3A_255 = arith.addi %parallel_loop3A_158, %parallel_loop3A_254 : i32
          %parallel_loop3A_256 = arith.index_cast %parallel_loop3A_255 : i32 to index
          %parallel_loop3A_257 = arith.constant 0 : index
          %parallel_loop3A_258 = tpu.vector_load %arg10[%parallel_loop3A_256, %parallel_loop3A_257] {strides = array<i32>} : memref<80x128xf32, #tpu.memory_space<vmem>>, vector<16xf32>,
          %parallel_loop3A_259 = arith.index_cast %parallel_loop3A_255 : i32 to index
          %parallel_loop3A_260 = arith.constant 0 : index
          %parallel_loop3A_261 = tpu.vector_load %arg11[%parallel_loop3A_259, %parallel_loop3A_260] {strides = array<i32>} : memref<80x128xf32, #tpu.memory_space<vmem>>, vector<16xf32>,
          %parallel_loop3A_262 = arith.mulf %parallel_loop3A_258, %parallel_loop3A_261 : vector<16xf32>
          %parallel_loop3A_263 = arith.index_cast %parallel_loop3A_255 : i32 to index
          %parallel_loop3A_264 = arith.constant 16 : index
          %parallel_loop3A_265 = tpu.vector_load %arg10[%parallel_loop3A_263, %parallel_loop3A_264] {strides = array<i32>} : memref<80x128xf32, #tpu.memory_space<vmem>>, vector<16xf32>,
          %parallel_loop3A_266 = arith.index_cast %parallel_loop3A_255 : i32 to index
          %parallel_loop3A_267 = arith.constant 16 : index
          %parallel_loop3A_268 = tpu.vector_load %arg11[%parallel_loop3A_266, %parallel_loop3A_267] {strides = array<i32>} : memref<80x128xf32, #tpu.memory_space<vmem>>, vector<16xf32>,
          %parallel_loop3A_269 = arith.mulf %parallel_loop3A_265, %parallel_loop3A_268 : vector<16xf32>
          %parallel_loop3A_270 = arith.addf %parallel_loop3A_262, %parallel_loop3A_269 : vector<16xf32>
          %parallel_loop3A_271 = arith.index_cast %parallel_loop3A_255 : i32 to index
          %parallel_loop3A_272 = arith.constant 32 : index
          %parallel_loop3A_273 = tpu.vector_load %arg10[%parallel_loop3A_271, %parallel_loop3A_272] {strides = array<i32>} : memref<80x128xf32, #tpu.memory_space<vmem>>, vector<16xf32>,
          %parallel_loop3A_274 = arith.index_cast %parallel_loop3A_255 : i32 to index
          %parallel_loop3A_275 = arith.constant 32 : index
          %parallel_loop3A_276 = tpu.vector_load %arg11[%parallel_loop3A_274, %parallel_loop3A_275] {strides = array<i32>} : memref<80x128xf32, #tpu.memory_space<vmem>>, vector<16xf32>,
          %parallel_loop3A_277 = arith.mulf %parallel_loop3A_273, %parallel_loop3A_276 : vector<16xf32>
          %parallel_loop3A_278 = arith.addf %parallel_loop3A_270, %parallel_loop3A_277 : vector<16xf32>
          %parallel_loop3A_279 = arith.index_cast %parallel_loop3A_255 : i32 to index
          %parallel_loop3A_280 = arith.constant 48 : index
          %parallel_loop3A_281 = tpu.vector_load %arg10[%parallel_loop3A_279, %parallel_loop3A_280] {strides = array<i32>} : memref<80x128xf32, #tpu.memory_space<vmem>>, vector<16xf32>,
          %parallel_loop3A_282 = arith.index_cast %parallel_loop3A_255 : i32 to index
          %parallel_loop3A_283 = arith.constant 48 : index
          %parallel_loop3A_284 = tpu.vector_load %arg11[%parallel_loop3A_282, %parallel_loop3A_283] {strides = array<i32>} : memref<80x128xf32, #tpu.memory_space<vmem>>, vector<16xf32>,
          %parallel_loop3A_285 = arith.mulf %parallel_loop3A_281, %parallel_loop3A_284 : vector<16xf32>
          %parallel_loop3A_286 = arith.addf %parallel_loop3A_278, %parallel_loop3A_285 : vector<16xf32>
          %parallel_loop3A_287 = arith.index_cast %parallel_loop3A_255 : i32 to index
          %parallel_loop3A_288 = arith.constant 64 : index
          %parallel_loop3A_289 = tpu.vector_load %arg10[%parallel_loop3A_287, %parallel_loop3A_288] {strides = array<i32>} : memref<80x128xf32, #tpu.memory_space<vmem>>, vector<16xf32>,
          %parallel_loop3A_290 = arith.index_cast %parallel_loop3A_255 : i32 to index
          %parallel_loop3A_291 = arith.constant 64 : index
          %parallel_loop3A_292 = tpu.vector_load %arg11[%parallel_loop3A_290, %parallel_loop3A_291] {strides = array<i32>} : memref<80x128xf32, #tpu.memory_space<vmem>>, vector<16xf32>,
          %parallel_loop3A_293 = arith.mulf %parallel_loop3A_289, %parallel_loop3A_292 : vector<16xf32>
          %parallel_loop3A_294 = arith.addf %parallel_loop3A_286, %parallel_loop3A_293 : vector<16xf32>
          %parallel_loop3A_295 = arith.index_cast %parallel_loop3A_255 : i32 to index
          %parallel_loop3A_296 = arith.constant 80 : index
          %parallel_loop3A_297 = tpu.vector_load %arg10[%parallel_loop3A_295, %parallel_loop3A_296] {strides = array<i32>} : memref<80x128xf32, #tpu.memory_space<vmem>>, vector<16xf32>,
          %parallel_loop3A_298 = arith.index_cast %parallel_loop3A_255 : i32 to index
          %parallel_loop3A_299 = arith.constant 80 : index
          %parallel_loop3A_300 = tpu.vector_load %arg11[%parallel_loop3A_298, %parallel_loop3A_299] {strides = array<i32>} : memref<80x128xf32, #tpu.memory_space<vmem>>, vector<16xf32>,
          %parallel_loop3A_301 = arith.mulf %parallel_loop3A_297, %parallel_loop3A_300 : vector<16xf32>
          %parallel_loop3A_302 = arith.addf %parallel_loop3A_294, %parallel_loop3A_301 : vector<16xf32>
          %parallel_loop3A_303 = arith.index_cast %parallel_loop3A_255 : i32 to index
          %parallel_loop3A_304 = arith.constant 96 : index
          %parallel_loop3A_305 = tpu.vector_load %arg10[%parallel_loop3A_303, %parallel_loop3A_304] {strides = array<i32>} : memref<80x128xf32, #tpu.memory_space<vmem>>, vector<16xf32>,
          %parallel_loop3A_306 = arith.index_cast %parallel_loop3A_255 : i32 to index
          %parallel_loop3A_307 = arith.constant 96 : index
          %parallel_loop3A_308 = tpu.vector_load %arg11[%parallel_loop3A_306, %parallel_loop3A_307] {strides = array<i32>} : memref<80x128xf32, #tpu.memory_space<vmem>>, vector<16xf32>,
          %parallel_loop3A_309 = arith.mulf %parallel_loop3A_305, %parallel_loop3A_308 : vector<16xf32>
          %parallel_loop3A_310 = arith.addf %parallel_loop3A_302, %parallel_loop3A_309 : vector<16xf32>
          %parallel_loop3A_311 = arith.index_cast %parallel_loop3A_255 : i32 to index
          %parallel_loop3A_312 = arith.constant 112 : index
          %parallel_loop3A_313 = tpu.vector_load %arg10[%parallel_loop3A_311, %parallel_loop3A_312] {strides = array<i32>} : memref<80x128xf32, #tpu.memory_space<vmem>>, vector<16xf32>,
          %parallel_loop3A_314 = arith.index_cast %parallel_loop3A_255 : i32 to index
          %parallel_loop3A_315 = arith.constant 112 : index
          %parallel_loop3A_316 = tpu.vector_load %arg11[%parallel_loop3A_314, %parallel_loop3A_315] {strides = array<i32>} : memref<80x128xf32, #tpu.memory_space<vmem>>, vector<16xf32>,
          %parallel_loop3A_317 = arith.mulf %parallel_loop3A_313, %parallel_loop3A_316 : vector<16xf32>
          %parallel_loop3A_318 = arith.addf %parallel_loop3A_310, %parallel_loop3A_317 : vector<16xf32>
          %parallel_loop3A_319 = vector.broadcast %parallel_loop3A_254 : i32 to vector<16xi32>
          %parallel_loop3A_320 = arith.cmpi eq, %iota3A, %parallel_loop3A_319 : vector<16xi32>
          %parallel_loop3A_321 = arith.constant true
          %parallel_loop3A_322 = vector.broadcast %parallel_loop3A_321 : i1 to vector<16xi1>
          %parallel_loop3A_323 = tpu.scan <sum>, %parallel_loop3A_318 masked %parallel_loop3A_322 : vector<16xf32>, vector<16xi1> -> vector<16xf32>
          %parallel_loop3A_324 = vector.extract %parallel_loop3A_323[15] : f32 from vector<16xf32>
          %parallel_loop3A_325 = vector.broadcast %parallel_loop3A_324 : f32 to vector<16xf32>
          %parallel_loop3A_326 = arith.select %parallel_loop3A_320, %parallel_loop3A_325, %parallel_loop3A_252 : vector<16xi1>, vector<16xf32>
          %parallel_loop3A_327 = arith.constant 2 : i32
          %parallel_loop3A_328 = arith.addi %scan3A_179, %parallel_loop3A_327 : i32
          %parallel_loop3A_329 = arith.addi %parallel_loop3A_158, %parallel_loop3A_328 : i32
          %parallel_loop3A_330 = arith.index_cast %parallel_loop3A_329 : i32 to index
          %parallel_loop3A_331 = arith.constant 0 : index
          %parallel_loop3A_332 = tpu.vector_load %arg10[%parallel_loop3A_330, %parallel_loop3A_331] {strides = array<i32>} : memref<80x128xf32, #tpu.memory_space<vmem>>, vector<16xf32>,
          %parallel_loop3A_333 = arith.index_cast %parallel_loop3A_329 : i32 to index
          %parallel_loop3A_334 = arith.constant 0 : index
          %parallel_loop3A_335 = tpu.vector_load %arg11[%parallel_loop3A_333, %parallel_loop3A_334] {strides = array<i32>} : memref<80x128xf32, #tpu.memory_space<vmem>>, vector<16xf32>,
          %parallel_loop3A_336 = arith.mulf %parallel_loop3A_332, %parallel_loop3A_335 : vector<16xf32>
          %parallel_loop3A_337 = arith.index_cast %parallel_loop3A_329 : i32 to index
          %parallel_loop3A_338 = arith.constant 16 : index
          %parallel_loop3A_339 = tpu.vector_load %arg10[%parallel_loop3A_337, %parallel_loop3A_338] {strides = array<i32>} : memref<80x128xf32, #tpu.memory_space<vmem>>, vector<16xf32>,
          %parallel_loop3A_340 = arith.index_cast %parallel_loop3A_329 : i32 to index
          %parallel_loop3A_341 = arith.constant 16 : index
          %parallel_loop3A_342 = tpu.vector_load %arg11[%parallel_loop3A_340, %parallel_loop3A_341] {strides = array<i32>} : memref<80x128xf32, #tpu.memory_space<vmem>>, vector<16xf32>,
          %parallel_loop3A_343 = arith.mulf %parallel_loop3A_339, %parallel_loop3A_342 : vector<16xf32>
          %parallel_loop3A_344 = arith.addf %parallel_loop3A_336, %parallel_loop3A_343 : vector<16xf32>
          %parallel_loop3A_345 = arith.index_cast %parallel_loop3A_329 : i32 to index
          %parallel_loop3A_346 = arith.constant 32 : index
          %parallel_loop3A_347 = tpu.vector_load %arg10[%parallel_loop3A_345, %parallel_loop3A_346] {strides = array<i32>} : memref<80x128xf32, #tpu.memory_space<vmem>>, vector<16xf32>,
          %parallel_loop3A_348 = arith.index_cast %parallel_loop3A_329 : i32 to index
          %parallel_loop3A_349 = arith.constant 32 : index
          %parallel_loop3A_350 = tpu.vector_load %arg11[%parallel_loop3A_348, %parallel_loop3A_349] {strides = array<i32>} : memref<80x128xf32, #tpu.memory_space<vmem>>, vector<16xf32>,
          %parallel_loop3A_351 = arith.mulf %parallel_loop3A_347, %parallel_loop3A_350 : vector<16xf32>
          %parallel_loop3A_352 = arith.addf %parallel_loop3A_344, %parallel_loop3A_351 : vector<16xf32>
          %parallel_loop3A_353 = arith.index_cast %parallel_loop3A_329 : i32 to index
          %parallel_loop3A_354 = arith.constant 48 : index
          %parallel_loop3A_355 = tpu.vector_load %arg10[%parallel_loop3A_353, %parallel_loop3A_354] {strides = array<i32>} : memref<80x128xf32, #tpu.memory_space<vmem>>, vector<16xf32>,
          %parallel_loop3A_356 = arith.index_cast %parallel_loop3A_329 : i32 to index
          %parallel_loop3A_357 = arith.constant 48 : index
          %parallel_loop3A_358 = tpu.vector_load %arg11[%parallel_loop3A_356, %parallel_loop3A_357] {strides = array<i32>} : memref<80x128xf32, #tpu.memory_space<vmem>>, vector<16xf32>,
          %parallel_loop3A_359 = arith.mulf %parallel_loop3A_355, %parallel_loop3A_358 : vector<16xf32>
          %parallel_loop3A_360 = arith.addf %parallel_loop3A_352, %parallel_loop3A_359 : vector<16xf32>
          %parallel_loop3A_361 = arith.index_cast %parallel_loop3A_329 : i32 to index
          %parallel_loop3A_362 = arith.constant 64 : index
          %parallel_loop3A_363 = tpu.vector_load %arg10[%parallel_loop3A_361, %parallel_loop3A_362] {strides = array<i32>} : memref<80x128xf32, #tpu.memory_space<vmem>>, vector<16xf32>,
          %parallel_loop3A_364 = arith.index_cast %parallel_loop3A_329 : i32 to index
          %parallel_loop3A_365 = arith.constant 64 : index
          %parallel_loop3A_366 = tpu.vector_load %arg11[%parallel_loop3A_364, %parallel_loop3A_365] {strides = array<i32>} : memref<80x128xf32, #tpu.memory_space<vmem>>, vector<16xf32>,
          %parallel_loop3A_367 = arith.mulf %parallel_loop3A_363, %parallel_loop3A_366 : vector<16xf32>
          %parallel_loop3A_368 = arith.addf %parallel_loop3A_360, %parallel_loop3A_367 : vector<16xf32>
          %parallel_loop3A_369 = arith.index_cast %parallel_loop3A_329 : i32 to index
          %parallel_loop3A_370 = arith.constant 80 : index
          %parallel_loop3A_371 = tpu.vector_load %arg10[%parallel_loop3A_369, %parallel_loop3A_370] {strides = array<i32>} : memref<80x128xf32, #tpu.memory_space<vmem>>, vector<16xf32>,
          %parallel_loop3A_372 = arith.index_cast %parallel_loop3A_329 : i32 to index
          %parallel_loop3A_373 = arith.constant 80 : index
          %parallel_loop3A_374 = tpu.vector_load %arg11[%parallel_loop3A_372, %parallel_loop3A_373] {strides = array<i32>} : memref<80x128xf32, #tpu.memory_space<vmem>>, vector<16xf32>,
          %parallel_loop3A_375 = arith.mulf %parallel_loop3A_371, %parallel_loop3A_374 : vector<16xf32>
          %parallel_loop3A_376 = arith.addf %parallel_loop3A_368, %parallel_loop3A_375 : vector<16xf32>
          %parallel_loop3A_377 = arith.index_cast %parallel_loop3A_329 : i32 to index
          %parallel_loop3A_378 = arith.constant 96 : index
          %parallel_loop3A_379 = tpu.vector_load %arg10[%parallel_loop3A_377, %parallel_loop3A_378] {strides = array<i32>} : memref<80x128xf32, #tpu.memory_space<vmem>>, vector<16xf32>,
          %parallel_loop3A_380 = arith.index_cast %parallel_loop3A_329 : i32 to index
          %parallel_loop3A_381 = arith.constant 96 : index
          %parallel_loop3A_382 = tpu.vector_load %arg11[%parallel_loop3A_380, %parallel_loop3A_381] {strides = array<i32>} : memref<80x128xf32, #tpu.memory_space<vmem>>, vector<16xf32>,
          %parallel_loop3A_383 = arith.mulf %parallel_loop3A_379, %parallel_loop3A_382 : vector<16xf32>
          %parallel_loop3A_384 = arith.addf %parallel_loop3A_376, %parallel_loop3A_383 : vector<16xf32>
          %parallel_loop3A_385 = arith.index_cast %parallel_loop3A_329 : i32 to index
          %parallel_loop3A_386 = arith.constant 112 : index
          %parallel_loop3A_387 = tpu.vector_load %arg10[%parallel_loop3A_385, %parallel_loop3A_386] {strides = array<i32>} : memref<80x128xf32, #tpu.memory_space<vmem>>, vector<16xf32>,
          %parallel_loop3A_388 = arith.index_cast %parallel_loop3A_329 : i32 to index
          %parallel_loop3A_389 = arith.constant 112 : index
          %parallel_loop3A_390 = tpu.vector_load %arg11[%parallel_loop3A_388, %parallel_loop3A_389] {strides = array<i32>} : memref<80x128xf32, #tpu.memory_space<vmem>>, vector<16xf32>,
          %parallel_loop3A_391 = arith.mulf %parallel_loop3A_387, %parallel_loop3A_390 : vector<16xf32>
          %parallel_loop3A_392 = arith.addf %parallel_loop3A_384, %parallel_loop3A_391 : vector<16xf32>
          %parallel_loop3A_393 = vector.broadcast %parallel_loop3A_328 : i32 to vector<16xi32>
          %parallel_loop3A_394 = arith.cmpi eq, %iota3A, %parallel_loop3A_393 : vector<16xi32>
          %parallel_loop3A_395 = arith.constant true
          %parallel_loop3A_396 = vector.broadcast %parallel_loop3A_395 : i1 to vector<16xi1>
          %parallel_loop3A_397 = tpu.scan <sum>, %parallel_loop3A_392 masked %parallel_loop3A_396 : vector<16xf32>, vector<16xi1> -> vector<16xf32>
          %parallel_loop3A_398 = vector.extract %parallel_loop3A_397[15] : f32 from vector<16xf32>
          %parallel_loop3A_399 = vector.broadcast %parallel_loop3A_398 : f32 to vector<16xf32>
          %parallel_loop3A_400 = arith.select %parallel_loop3A_394, %parallel_loop3A_399, %parallel_loop3A_326 : vector<16xi1>, vector<16xf32>
          %parallel_loop3A_401 = arith.constant 3 : i32
          %parallel_loop3A_402 = arith.addi %scan3A_179, %parallel_loop3A_401 : i32
          %parallel_loop3A_403 = arith.addi %parallel_loop3A_158, %parallel_loop3A_402 : i32
          %parallel_loop3A_404 = arith.index_cast %parallel_loop3A_403 : i32 to index
          %parallel_loop3A_405 = arith.constant 0 : index
          %parallel_loop3A_406 = tpu.vector_load %arg10[%parallel_loop3A_404, %parallel_loop3A_405] {strides = array<i32>} : memref<80x128xf32, #tpu.memory_space<vmem>>, vector<16xf32>,
          %parallel_loop3A_407 = arith.index_cast %parallel_loop3A_403 : i32 to index
          %parallel_loop3A_408 = arith.constant 0 : index
          %parallel_loop3A_409 = tpu.vector_load %arg11[%parallel_loop3A_407, %parallel_loop3A_408] {strides = array<i32>} : memref<80x128xf32, #tpu.memory_space<vmem>>, vector<16xf32>,
          %parallel_loop3A_410 = arith.mulf %parallel_loop3A_406, %parallel_loop3A_409 : vector<16xf32>
          %parallel_loop3A_411 = arith.index_cast %parallel_loop3A_403 : i32 to index
          %parallel_loop3A_412 = arith.constant 16 : index
          %parallel_loop3A_413 = tpu.vector_load %arg10[%parallel_loop3A_411, %parallel_loop3A_412] {strides = array<i32>} : memref<80x128xf32, #tpu.memory_space<vmem>>, vector<16xf32>,
          %parallel_loop3A_414 = arith.index_cast %parallel_loop3A_403 : i32 to index
          %parallel_loop3A_415 = arith.constant 16 : index
          %parallel_loop3A_416 = tpu.vector_load %arg11[%parallel_loop3A_414, %parallel_loop3A_415] {strides = array<i32>} : memref<80x128xf32, #tpu.memory_space<vmem>>, vector<16xf32>,
          %parallel_loop3A_417 = arith.mulf %parallel_loop3A_413, %parallel_loop3A_416 : vector<16xf32>
          %parallel_loop3A_418 = arith.addf %parallel_loop3A_410, %parallel_loop3A_417 : vector<16xf32>
          %parallel_loop3A_419 = arith.index_cast %parallel_loop3A_403 : i32 to index
          %parallel_loop3A_420 = arith.constant 32 : index
          %parallel_loop3A_421 = tpu.vector_load %arg10[%parallel_loop3A_419, %parallel_loop3A_420] {strides = array<i32>} : memref<80x128xf32, #tpu.memory_space<vmem>>, vector<16xf32>,
          %parallel_loop3A_422 = arith.index_cast %parallel_loop3A_403 : i32 to index
          %parallel_loop3A_423 = arith.constant 32 : index
          %parallel_loop3A_424 = tpu.vector_load %arg11[%parallel_loop3A_422, %parallel_loop3A_423] {strides = array<i32>} : memref<80x128xf32, #tpu.memory_space<vmem>>, vector<16xf32>,
          %parallel_loop3A_425 = arith.mulf %parallel_loop3A_421, %parallel_loop3A_424 : vector<16xf32>
          %parallel_loop3A_426 = arith.addf %parallel_loop3A_418, %parallel_loop3A_425 : vector<16xf32>
          %parallel_loop3A_427 = arith.index_cast %parallel_loop3A_403 : i32 to index
          %parallel_loop3A_428 = arith.constant 48 : index
          %parallel_loop3A_429 = tpu.vector_load %arg10[%parallel_loop3A_427, %parallel_loop3A_428] {strides = array<i32>} : memref<80x128xf32, #tpu.memory_space<vmem>>, vector<16xf32>,
          %parallel_loop3A_430 = arith.index_cast %parallel_loop3A_403 : i32 to index
          %parallel_loop3A_431 = arith.constant 48 : index
          %parallel_loop3A_432 = tpu.vector_load %arg11[%parallel_loop3A_430, %parallel_loop3A_431] {strides = array<i32>} : memref<80x128xf32, #tpu.memory_space<vmem>>, vector<16xf32>,
          %parallel_loop3A_433 = arith.mulf %parallel_loop3A_429, %parallel_loop3A_432 : vector<16xf32>
          %parallel_loop3A_434 = arith.addf %parallel_loop3A_426, %parallel_loop3A_433 : vector<16xf32>
          %parallel_loop3A_435 = arith.index_cast %parallel_loop3A_403 : i32 to index
          %parallel_loop3A_436 = arith.constant 64 : index
          %parallel_loop3A_437 = tpu.vector_load %arg10[%parallel_loop3A_435, %parallel_loop3A_436] {strides = array<i32>} : memref<80x128xf32, #tpu.memory_space<vmem>>, vector<16xf32>,
          %parallel_loop3A_438 = arith.index_cast %parallel_loop3A_403 : i32 to index
          %parallel_loop3A_439 = arith.constant 64 : index
          %parallel_loop3A_440 = tpu.vector_load %arg11[%parallel_loop3A_438, %parallel_loop3A_439] {strides = array<i32>} : memref<80x128xf32, #tpu.memory_space<vmem>>, vector<16xf32>,
          %parallel_loop3A_441 = arith.mulf %parallel_loop3A_437, %parallel_loop3A_440 : vector<16xf32>
          %parallel_loop3A_442 = arith.addf %parallel_loop3A_434, %parallel_loop3A_441 : vector<16xf32>
          %parallel_loop3A_443 = arith.index_cast %parallel_loop3A_403 : i32 to index
          %parallel_loop3A_444 = arith.constant 80 : index
          %parallel_loop3A_445 = tpu.vector_load %arg10[%parallel_loop3A_443, %parallel_loop3A_444] {strides = array<i32>} : memref<80x128xf32, #tpu.memory_space<vmem>>, vector<16xf32>,
          %parallel_loop3A_446 = arith.index_cast %parallel_loop3A_403 : i32 to index
          %parallel_loop3A_447 = arith.constant 80 : index
          %parallel_loop3A_448 = tpu.vector_load %arg11[%parallel_loop3A_446, %parallel_loop3A_447] {strides = array<i32>} : memref<80x128xf32, #tpu.memory_space<vmem>>, vector<16xf32>,
          %parallel_loop3A_449 = arith.mulf %parallel_loop3A_445, %parallel_loop3A_448 : vector<16xf32>
          %parallel_loop3A_450 = arith.addf %parallel_loop3A_442, %parallel_loop3A_449 : vector<16xf32>
          %parallel_loop3A_451 = arith.index_cast %parallel_loop3A_403 : i32 to index
          %parallel_loop3A_452 = arith.constant 96 : index
          %parallel_loop3A_453 = tpu.vector_load %arg10[%parallel_loop3A_451, %parallel_loop3A_452] {strides = array<i32>} : memref<80x128xf32, #tpu.memory_space<vmem>>, vector<16xf32>,
          %parallel_loop3A_454 = arith.index_cast %parallel_loop3A_403 : i32 to index
          %parallel_loop3A_455 = arith.constant 96 : index
          %parallel_loop3A_456 = tpu.vector_load %arg11[%parallel_loop3A_454, %parallel_loop3A_455] {strides = array<i32>} : memref<80x128xf32, #tpu.memory_space<vmem>>, vector<16xf32>,
          %parallel_loop3A_457 = arith.mulf %parallel_loop3A_453, %parallel_loop3A_456 : vector<16xf32>
          %parallel_loop3A_458 = arith.addf %parallel_loop3A_450, %parallel_loop3A_457 : vector<16xf32>
          %parallel_loop3A_459 = arith.index_cast %parallel_loop3A_403 : i32 to index
          %parallel_loop3A_460 = arith.constant 112 : index
          %parallel_loop3A_461 = tpu.vector_load %arg10[%parallel_loop3A_459, %parallel_loop3A_460] {strides = array<i32>} : memref<80x128xf32, #tpu.memory_space<vmem>>, vector<16xf32>,
          %parallel_loop3A_462 = arith.index_cast %parallel_loop3A_403 : i32 to index
          %parallel_loop3A_463 = arith.constant 112 : index
          %parallel_loop3A_464 = tpu.vector_load %arg11[%parallel_loop3A_462, %parallel_loop3A_463] {strides = array<i32>} : memref<80x128xf32, #tpu.memory_space<vmem>>, vector<16xf32>,
          %parallel_loop3A_465 = arith.mulf %parallel_loop3A_461, %parallel_loop3A_464 : vector<16xf32>
          %parallel_loop3A_466 = arith.addf %parallel_loop3A_458, %parallel_loop3A_465 : vector<16xf32>
          %parallel_loop3A_467 = vector.broadcast %parallel_loop3A_402 : i32 to vector<16xi32>
          %parallel_loop3A_468 = arith.cmpi eq, %iota3A, %parallel_loop3A_467 : vector<16xi32>
          %parallel_loop3A_469 = arith.constant true
          %parallel_loop3A_470 = vector.broadcast %parallel_loop3A_469 : i1 to vector<16xi1>
          %parallel_loop3A_471 = tpu.scan <sum>, %parallel_loop3A_466 masked %parallel_loop3A_470 : vector<16xf32>, vector<16xi1> -> vector<16xf32>
          %parallel_loop3A_472 = vector.extract %parallel_loop3A_471[15] : f32 from vector<16xf32>
          %parallel_loop3A_473 = vector.broadcast %parallel_loop3A_472 : f32 to vector<16xf32>
          %parallel_loop3A_474 = arith.select %parallel_loop3A_468, %parallel_loop3A_473, %parallel_loop3A_400 : vector<16xi1>, vector<16xf32>
          scf.yield %parallel_loop3A_474 : vector<16xf32>
        }
        %parallel_loop3A_166 = arith.constant 16 : i32
        %parallel_loop3A_167 = arith.constant 0.000000e+00 : f32
        %parallel_loop3A_168 = vector.broadcast %parallel_loop3A_167 : f32 to vector<16xf32>
        %parallel_loop3A_169 = arith.subf %parallel_loop3A_168, %parallel_loop3A_165 : vector<16xf32>
        %parallel_loop3A_170 = math.exp %parallel_loop3A_169 : vector<16xf32>
        %parallel_loop3A_171 = arith.constant 1.000000e+00 : f32
        %parallel_loop3A_172 = vector.broadcast %parallel_loop3A_171 : f32 to vector<16xf32>
        %parallel_loop3A_173 = arith.addf %parallel_loop3A_172, %parallel_loop3A_170 : vector<16xf32>
        %parallel_loop3A_174 = arith.constant 1.000000e+00 : f32
        %parallel_loop3A_175 = vector.broadcast %parallel_loop3A_174 : f32 to vector<16xf32>
        %parallel_loop3A_176 = arith.divf %parallel_loop3A_175, %parallel_loop3A_173 : vector<16xf32>
        %parallel_loop3A_177 = arith.index_cast %parallel_loop3A_158 : i32 to index
        %parallel_loop3A_178 = tpu.vector_load %arg14[%parallel_loop3A_177] {strides = array<i32>} : memref<80xf32, #tpu.memory_space<vmem>>, vector<16xf32>,
        tpu.vector_store %arg14[%parallel_loop3A_177], %parallel_loop3A_176 {strides = array<i32>} : memref<80xf32, #tpu.memory_space<vmem>>, vector<16xf32>,
      } {sc.loop_unroll_factor = 1 : i64, sc.parallel_access}
      %mul3A_108 = arith.constant 80 : i32
      %mul3A_109 = arith.muli %mul3A_74, %mul3A_108 : i32
      %add3A_110 = arith.addi %mul3A_2, %mul3A_109 : i32
      %dma_start3A_111 = tpu.memref_slice %arg4[%add3A_110] : memref<320000xf32, #tpu.memory_space<hbm>> -> memref<80xf32, #tpu.memory_space<hbm>>
      %dma_start3A_112 = tpu.memref_slice %arg4[%add3A_110] : memref<320000xf32, #tpu.memory_space<hbm>> -> memref<80xf32, #tpu.memory_space<hbm>>
      tpu.enqueue_dma source(%arg14 : memref<80xf32, #tpu.memory_space<vmem>>) target(%dma_start3A_112 : memref<80xf32, #tpu.memory_space<hbm>>) target_semaphore(%arg20 : memref<!tpu.dma_semaphore, #tpu.memory_space<semaphore_mem>>)
      %mul3A_113 = arith.constant 2 : i32
      %mul3A_114 = arith.muli %mul3A_113, %scan3A_72 : i32
      %add3A_115 = arith.constant 1 : i32
      %add3A_116 = arith.addi %mul3A_114, %add3A_115 : i32
      %dma_wait3A_117 = arith.constant 0 : i32
      %dma_wait3A_118 = arith.constant 0 : i32
      %dma_wait3A_119 = tpu.memref_slice %arg2[%dma_wait3A_117, %dma_wait3A_118] : memref<10000x128xf32, #tpu.memory_space<hbm>> -> memref<80x128xf32, #tpu.memory_space<hbm>>
      %dma_wait3A_120 = arith.constant 0 : i32
      %dma_wait3A_121 = arith.constant 0 : i32
      %dma_wait3A_122 = tpu.memref_slice %arg2[%dma_wait3A_120, %dma_wait3A_121] : memref<10000x128xf32, #tpu.memory_space<hbm>> -> memref<80x128xf32, #tpu.memory_space<hbm>>
      tpu.wait_dma2 semaphore(%arg19 : memref<!tpu.dma_semaphore, #tpu.memory_space<semaphore_mem>>) src(%dma_wait3A_122 : memref<80x128xf32, #tpu.memory_space<hbm>>) dst(%arg12 : memref<80x128xf32, #tpu.memory_space<vmem>>)
      %dma_wait3A_123 = arith.constant 0 : i32
      %dma_wait3A_124 = arith.constant 0 : i32
      %dma_wait3A_125 = tpu.memref_slice %arg2[%dma_wait3A_123, %dma_wait3A_124] : memref<10000x128xf32, #tpu.memory_space<hbm>> -> memref<80x128xf32, #tpu.memory_space<hbm>>
      %dma_wait3A_126 = arith.constant 0 : i32
      %dma_wait3A_127 = arith.constant 0 : i32
      %dma_wait3A_128 = tpu.memref_slice %arg2[%dma_wait3A_126, %dma_wait3A_127] : memref<10000x128xf32, #tpu.memory_space<hbm>> -> memref<80x128xf32, #tpu.memory_space<hbm>>
      tpu.wait_dma2 semaphore(%arg19 : memref<!tpu.dma_semaphore, #tpu.memory_space<semaphore_mem>>) src(%dma_wait3A_128 : memref<80x128xf32, #tpu.memory_space<hbm>>) dst(%arg13 : memref<80x128xf32, #tpu.memory_space<vmem>>)
      %add3A_129 = arith.constant 2 : i32
      %add3A_130 = arith.addi %add3A_116, %add3A_129 : i32
      %lt3A_131 = arith.constant 125 : i32
      %lt3A_132 = arith.cmpi slt, %add3A_130, %lt3A_131 : i32
      %convert_element_type3A_133 = arith.extui %lt3A_132 : i1 to i32
      %cond3A_134 = arith.constant 0 : i32
      %cond3A_135 = arith.cmpi ne, %convert_element_type3A_133, %cond3A_134 : i32
      scf.if %cond3A_135 {
        %add3A_156 = arith.constant 2 : i32
        %add3A_157 = arith.addi %add3A_116, %add3A_156 : i32
        %mul3A_158 = arith.constant 80 : i32
        %mul3A_159 = arith.muli %add3A_157, %mul3A_158 : i32
        %add3A_160 = arith.addi %mul3A_2, %mul3A_159 : i32
        %dma_start3A_161 = tpu.memref_slice %arg3[%add3A_160] : memref<640000xi32, #tpu.memory_space<hbm>> -> memref<80xi32, #tpu.memory_space<hbm>>
        %dma_start3A_162 = tpu.memref_slice %arg3[%add3A_160] : memref<640000xi32, #tpu.memory_space<hbm>> -> memref<80xi32, #tpu.memory_space<hbm>>
        tpu.enqueue_dma source(%dma_start3A_162 : memref<80xi32, #tpu.memory_space<hbm>>) target(%arg8 : memref<80xi32, #tpu.memory_space<vmem>>) target_semaphore(%arg17 : memref<!tpu.dma_semaphore, #tpu.memory_space<semaphore_mem>>)
        %add3A_163 = arith.constant 320000 : i32
        %add3A_164 = arith.addi %add3A_163, %add3A_160 : i32
        %dma_start3A_165 = tpu.memref_slice %arg3[%add3A_164] : memref<640000xi32, #tpu.memory_space<hbm>> -> memref<80xi32, #tpu.memory_space<hbm>>
        %dma_start3A_166 = tpu.memref_slice %arg3[%add3A_164] : memref<640000xi32, #tpu.memory_space<hbm>> -> memref<80xi32, #tpu.memory_space<hbm>>
        tpu.enqueue_dma source(%dma_start3A_166 : memref<80xi32, #tpu.memory_space<hbm>>) target(%arg9 : memref<80xi32, #tpu.memory_space<vmem>>) target_semaphore(%arg17 : memref<!tpu.dma_semaphore, #tpu.memory_space<semaphore_mem>>)
      } else {
      }
      %add3A_136 = arith.constant 1 : i32
      %add3A_137 = arith.addi %add3A_116, %add3A_136 : i32
      %lt3A_138 = arith.constant 125 : i32
      %lt3A_139 = arith.cmpi slt, %add3A_137, %lt3A_138 : i32
      %convert_element_type3A_140 = arith.extui %lt3A_139 : i1 to i32
      %cond3A_141 = arith.constant 0 : i32
      %cond3A_142 = arith.cmpi ne, %convert_element_type3A_140, %cond3A_141 : i32
      scf.if %cond3A_142 {
        %dma_wait3A_156 = arith.constant 0 : i32
        %dma_wait3A_157 = tpu.memref_slice %arg3[%dma_wait3A_156] : memref<640000xi32, #tpu.memory_space<hbm>> -> memref<80xi32, #tpu.memory_space<hbm>>
        %dma_wait3A_158 = arith.constant 0 : i32
        %dma_wait3A_159 = tpu.memref_slice %arg3[%dma_wait3A_158] : memref<640000xi32, #tpu.memory_space<hbm>> -> memref<80xi32, #tpu.memory_space<hbm>>
        tpu.wait_dma2 semaphore(%arg16 : memref<!tpu.dma_semaphore, #tpu.memory_space<semaphore_mem>>) src(%dma_wait3A_159 : memref<80xi32, #tpu.memory_space<hbm>>) dst(%arg6 : memref<80xi32, #tpu.memory_space<vmem>>)
        %dma_wait3A_160 = arith.constant 0 : i32
        %dma_wait3A_161 = tpu.memref_slice %arg3[%dma_wait3A_160] : memref<640000xi32, #tpu.memory_space<hbm>> -> memref<80xi32, #tpu.memory_space<hbm>>
        %dma_wait3A_162 = arith.constant 0 : i32
        %dma_wait3A_163 = tpu.memref_slice %arg3[%dma_wait3A_162] : memref<640000xi32, #tpu.memory_space<hbm>> -> memref<80xi32, #tpu.memory_space<hbm>>
        tpu.wait_dma2 semaphore(%arg16 : memref<!tpu.dma_semaphore, #tpu.memory_space<semaphore_mem>>) src(%dma_wait3A_163 : memref<80xi32, #tpu.memory_space<hbm>>) dst(%arg7 : memref<80xi32, #tpu.memory_space<vmem>>)
        %dma_start3A_164 = arith.constant 0 : i32
        %dma_start3A_165 = arith.constant 0 : i32
        %dma_start3A_166 = tpu.memref_slice %arg5[%dma_start3A_164, %dma_start3A_165] : memref<10000x128xf32, #tpu.memory_space<vmem_shared>> -> memref<10000x128xf32, #tpu.memory_space<vmem_shared>>
        tpu.enqueue_indirect_dma source(%dma_start3A_166 : memref<10000x128xf32, #tpu.memory_space<vmem_shared>>) target(%arg10 : memref<80x128xf32, #tpu.memory_space<vmem>>) offsets(%arg6 : memref<80xi32, #tpu.memory_space<vmem>>) semaphore(%arg18 : memref<!tpu.dma_semaphore, #tpu.memory_space<semaphore_mem>>)
        %dma_start3A_167 = arith.constant 0 : i32
        %dma_start3A_168 = arith.constant 0 : i32
        %dma_start3A_169 = tpu.memref_slice %arg5[%dma_start3A_167, %dma_start3A_168] : memref<10000x128xf32, #tpu.memory_space<vmem_shared>> -> memref<10000x128xf32, #tpu.memory_space<vmem_shared>>
        tpu.enqueue_indirect_dma source(%dma_start3A_169 : memref<10000x128xf32, #tpu.memory_space<vmem_shared>>) target(%arg11 : memref<80x128xf32, #tpu.memory_space<vmem>>) offsets(%arg7 : memref<80xi32, #tpu.memory_space<vmem>>) semaphore(%arg18 : memref<!tpu.dma_semaphore, #tpu.memory_space<semaphore_mem>>)
      } else {
      }
      %ge3A_143 = arith.constant 2 : i32
      %ge3A_144 = arith.cmpi sge, %add3A_116, %ge3A_143 : i32
      %convert_element_type3A_145 = arith.extui %ge3A_144 : i1 to i32
      %cond3A_146 = arith.constant 0 : i32
      %cond3A_147 = arith.cmpi ne, %convert_element_type3A_145, %cond3A_146 : i32
      scf.if %cond3A_147 {
        %dma_wait3A_156 = arith.constant 0 : i32
        %dma_wait3A_157 = tpu.memref_slice %arg4[%dma_wait3A_156] : memref<320000xf32, #tpu.memory_space<hbm>> -> memref<80xf32, #tpu.memory_space<hbm>>
        %dma_wait3A_158 = arith.constant 0 : i32
        %dma_wait3A_159 = tpu.memref_slice %arg4[%dma_wait3A_158] : memref<320000xf32, #tpu.memory_space<hbm>> -> memref<80xf32, #tpu.memory_space<hbm>>
        tpu.wait_dma2 semaphore(%arg21 : memref<!tpu.dma_semaphore, #tpu.memory_space<semaphore_mem>>) src(%arg15 : memref<80xf32, #tpu.memory_space<vmem>>) dst(%dma_wait3A_159 : memref<80xf32, #tpu.memory_space<hbm>>)
      } else {
      }
      %parallel_loop3A_148 = arith.constant 0 : i32
      %parallel_loop3A_149 = arith.constant 5 : i32
      %parallel_loop3A_150 = arith.constant 1 : i32
      scf.for %parallel_loop3A_156 = %parallel_loop3A_148 to %parallel_loop3A_149 step %parallel_loop3A_150  : i32 {
        %parallel_loop3A_157 = arith.constant 16 : i32
        %parallel_loop3A_158 = arith.muli %parallel_loop3A_156, %parallel_loop3A_157 : i32
        %parallel_loop3A_159 = arith.constant 0.000000e+00 : f32
        %parallel_loop3A_160 = vector.broadcast %parallel_loop3A_159 : f32 to vector<16xf32>
        %parallel_loop3A_161 = arith.constant 0 : i32
        %parallel_loop3A_162 = arith.constant 16 : i32
        %parallel_loop3A_163 = arith.addi %parallel_loop3A_161, %parallel_loop3A_162 : i32
        %parallel_loop3A_164 = arith.constant 4 : i32
        %parallel_loop3A_165 = scf.for %scan3A_179 = %parallel_loop3A_161 to %parallel_loop3A_163 step %parallel_loop3A_164 iter_args(%scan3A_180 = %parallel_loop3A_160) -> (vector<16xf32>)  : i32 {
          %parallel_loop3A_181 = arith.addi %parallel_loop3A_158, %scan3A_179 : i32
          %parallel_loop3A_182 = arith.index_cast %parallel_loop3A_181 : i32 to index
          %parallel_loop3A_183 = arith.constant 0 : index
          %parallel_loop3A_184 = tpu.vector_load %arg12[%parallel_loop3A_182, %parallel_loop3A_183] {strides = array<i32>} : memref<80x128xf32, #tpu.memory_space<vmem>>, vector<16xf32>,
          %parallel_loop3A_185 = arith.index_cast %parallel_loop3A_181 : i32 to index
          %parallel_loop3A_186 = arith.constant 0 : index
          %parallel_loop3A_187 = tpu.vector_load %arg13[%parallel_loop3A_185, %parallel_loop3A_186] {strides = array<i32>} : memref<80x128xf32, #tpu.memory_space<vmem>>, vector<16xf32>,
          %parallel_loop3A_188 = arith.mulf %parallel_loop3A_184, %parallel_loop3A_187 : vector<16xf32>
          %parallel_loop3A_189 = arith.index_cast %parallel_loop3A_181 : i32 to index
          %parallel_loop3A_190 = arith.constant 16 : index
          %parallel_loop3A_191 = tpu.vector_load %arg12[%parallel_loop3A_189, %parallel_loop3A_190] {strides = array<i32>} : memref<80x128xf32, #tpu.memory_space<vmem>>, vector<16xf32>,
          %parallel_loop3A_192 = arith.index_cast %parallel_loop3A_181 : i32 to index
          %parallel_loop3A_193 = arith.constant 16 : index
          %parallel_loop3A_194 = tpu.vector_load %arg13[%parallel_loop3A_192, %parallel_loop3A_193] {strides = array<i32>} : memref<80x128xf32, #tpu.memory_space<vmem>>, vector<16xf32>,
          %parallel_loop3A_195 = arith.mulf %parallel_loop3A_191, %parallel_loop3A_194 : vector<16xf32>
          %parallel_loop3A_196 = arith.addf %parallel_loop3A_188, %parallel_loop3A_195 : vector<16xf32>
          %parallel_loop3A_197 = arith.index_cast %parallel_loop3A_181 : i32 to index
          %parallel_loop3A_198 = arith.constant 32 : index
          %parallel_loop3A_199 = tpu.vector_load %arg12[%parallel_loop3A_197, %parallel_loop3A_198] {strides = array<i32>} : memref<80x128xf32, #tpu.memory_space<vmem>>, vector<16xf32>,
          %parallel_loop3A_200 = arith.index_cast %parallel_loop3A_181 : i32 to index
          %parallel_loop3A_201 = arith.constant 32 : index
          %parallel_loop3A_202 = tpu.vector_load %arg13[%parallel_loop3A_200, %parallel_loop3A_201] {strides = array<i32>} : memref<80x128xf32, #tpu.memory_space<vmem>>, vector<16xf32>,
          %parallel_loop3A_203 = arith.mulf %parallel_loop3A_199, %parallel_loop3A_202 : vector<16xf32>
          %parallel_loop3A_204 = arith.addf %parallel_loop3A_196, %parallel_loop3A_203 : vector<16xf32>
          %parallel_loop3A_205 = arith.index_cast %parallel_loop3A_181 : i32 to index
          %parallel_loop3A_206 = arith.constant 48 : index
          %parallel_loop3A_207 = tpu.vector_load %arg12[%parallel_loop3A_205, %parallel_loop3A_206] {strides = array<i32>} : memref<80x128xf32, #tpu.memory_space<vmem>>, vector<16xf32>,
          %parallel_loop3A_208 = arith.index_cast %parallel_loop3A_181 : i32 to index
          %parallel_loop3A_209 = arith.constant 48 : index
          %parallel_loop3A_210 = tpu.vector_load %arg13[%parallel_loop3A_208, %parallel_loop3A_209] {strides = array<i32>} : memref<80x128xf32, #tpu.memory_space<vmem>>, vector<16xf32>,
          %parallel_loop3A_211 = arith.mulf %parallel_loop3A_207, %parallel_loop3A_210 : vector<16xf32>
          %parallel_loop3A_212 = arith.addf %parallel_loop3A_204, %parallel_loop3A_211 : vector<16xf32>
          %parallel_loop3A_213 = arith.index_cast %parallel_loop3A_181 : i32 to index
          %parallel_loop3A_214 = arith.constant 64 : index
          %parallel_loop3A_215 = tpu.vector_load %arg12[%parallel_loop3A_213, %parallel_loop3A_214] {strides = array<i32>} : memref<80x128xf32, #tpu.memory_space<vmem>>, vector<16xf32>,
          %parallel_loop3A_216 = arith.index_cast %parallel_loop3A_181 : i32 to index
          %parallel_loop3A_217 = arith.constant 64 : index
          %parallel_loop3A_218 = tpu.vector_load %arg13[%parallel_loop3A_216, %parallel_loop3A_217] {strides = array<i32>} : memref<80x128xf32, #tpu.memory_space<vmem>>, vector<16xf32>,
          %parallel_loop3A_219 = arith.mulf %parallel_loop3A_215, %parallel_loop3A_218 : vector<16xf32>
          %parallel_loop3A_220 = arith.addf %parallel_loop3A_212, %parallel_loop3A_219 : vector<16xf32>
          %parallel_loop3A_221 = arith.index_cast %parallel_loop3A_181 : i32 to index
          %parallel_loop3A_222 = arith.constant 80 : index
          %parallel_loop3A_223 = tpu.vector_load %arg12[%parallel_loop3A_221, %parallel_loop3A_222] {strides = array<i32>} : memref<80x128xf32, #tpu.memory_space<vmem>>, vector<16xf32>,
          %parallel_loop3A_224 = arith.index_cast %parallel_loop3A_181 : i32 to index
          %parallel_loop3A_225 = arith.constant 80 : index
          %parallel_loop3A_226 = tpu.vector_load %arg13[%parallel_loop3A_224, %parallel_loop3A_225] {strides = array<i32>} : memref<80x128xf32, #tpu.memory_space<vmem>>, vector<16xf32>,
          %parallel_loop3A_227 = arith.mulf %parallel_loop3A_223, %parallel_loop3A_226 : vector<16xf32>
          %parallel_loop3A_228 = arith.addf %parallel_loop3A_220, %parallel_loop3A_227 : vector<16xf32>
          %parallel_loop3A_229 = arith.index_cast %parallel_loop3A_181 : i32 to index
          %parallel_loop3A_230 = arith.constant 96 : index
          %parallel_loop3A_231 = tpu.vector_load %arg12[%parallel_loop3A_229, %parallel_loop3A_230] {strides = array<i32>} : memref<80x128xf32, #tpu.memory_space<vmem>>, vector<16xf32>,
          %parallel_loop3A_232 = arith.index_cast %parallel_loop3A_181 : i32 to index
          %parallel_loop3A_233 = arith.constant 96 : index
          %parallel_loop3A_234 = tpu.vector_load %arg13[%parallel_loop3A_232, %parallel_loop3A_233] {strides = array<i32>} : memref<80x128xf32, #tpu.memory_space<vmem>>, vector<16xf32>,
          %parallel_loop3A_235 = arith.mulf %parallel_loop3A_231, %parallel_loop3A_234 : vector<16xf32>
          %parallel_loop3A_236 = arith.addf %parallel_loop3A_228, %parallel_loop3A_235 : vector<16xf32>
          %parallel_loop3A_237 = arith.index_cast %parallel_loop3A_181 : i32 to index
          %parallel_loop3A_238 = arith.constant 112 : index
          %parallel_loop3A_239 = tpu.vector_load %arg12[%parallel_loop3A_237, %parallel_loop3A_238] {strides = array<i32>} : memref<80x128xf32, #tpu.memory_space<vmem>>, vector<16xf32>,
          %parallel_loop3A_240 = arith.index_cast %parallel_loop3A_181 : i32 to index
          %parallel_loop3A_241 = arith.constant 112 : index
          %parallel_loop3A_242 = tpu.vector_load %arg13[%parallel_loop3A_240, %parallel_loop3A_241] {strides = array<i32>} : memref<80x128xf32, #tpu.memory_space<vmem>>, vector<16xf32>,
          %parallel_loop3A_243 = arith.mulf %parallel_loop3A_239, %parallel_loop3A_242 : vector<16xf32>
          %parallel_loop3A_244 = arith.addf %parallel_loop3A_236, %parallel_loop3A_243 : vector<16xf32>
          %parallel_loop3A_245 = vector.broadcast %scan3A_179 : i32 to vector<16xi32>
          %parallel_loop3A_246 = arith.cmpi eq, %iota3A, %parallel_loop3A_245 : vector<16xi32>
          %parallel_loop3A_247 = arith.constant true
          %parallel_loop3A_248 = vector.broadcast %parallel_loop3A_247 : i1 to vector<16xi1>
          %parallel_loop3A_249 = tpu.scan <sum>, %parallel_loop3A_244 masked %parallel_loop3A_248 : vector<16xf32>, vector<16xi1> -> vector<16xf32>
          %parallel_loop3A_250 = vector.extract %parallel_loop3A_249[15] : f32 from vector<16xf32>
          %parallel_loop3A_251 = vector.broadcast %parallel_loop3A_250 : f32 to vector<16xf32>
          %parallel_loop3A_252 = arith.select %parallel_loop3A_246, %parallel_loop3A_251, %scan3A_180 : vector<16xi1>, vector<16xf32>
          %parallel_loop3A_253 = arith.constant 1 : i32
          %parallel_loop3A_254 = arith.addi %scan3A_179, %parallel_loop3A_253 : i32
          %parallel_loop3A_255 = arith.addi %parallel_loop3A_158, %parallel_loop3A_254 : i32
          %parallel_loop3A_256 = arith.index_cast %parallel_loop3A_255 : i32 to index
          %parallel_loop3A_257 = arith.constant 0 : index
          %parallel_loop3A_258 = tpu.vector_load %arg12[%parallel_loop3A_256, %parallel_loop3A_257] {strides = array<i32>} : memref<80x128xf32, #tpu.memory_space<vmem>>, vector<16xf32>,
          %parallel_loop3A_259 = arith.index_cast %parallel_loop3A_255 : i32 to index
          %parallel_loop3A_260 = arith.constant 0 : index
          %parallel_loop3A_261 = tpu.vector_load %arg13[%parallel_loop3A_259, %parallel_loop3A_260] {strides = array<i32>} : memref<80x128xf32, #tpu.memory_space<vmem>>, vector<16xf32>,
          %parallel_loop3A_262 = arith.mulf %parallel_loop3A_258, %parallel_loop3A_261 : vector<16xf32>
          %parallel_loop3A_263 = arith.index_cast %parallel_loop3A_255 : i32 to index
          %parallel_loop3A_264 = arith.constant 16 : index
          %parallel_loop3A_265 = tpu.vector_load %arg12[%parallel_loop3A_263, %parallel_loop3A_264] {strides = array<i32>} : memref<80x128xf32, #tpu.memory_space<vmem>>, vector<16xf32>,
          %parallel_loop3A_266 = arith.index_cast %parallel_loop3A_255 : i32 to index
          %parallel_loop3A_267 = arith.constant 16 : index
          %parallel_loop3A_268 = tpu.vector_load %arg13[%parallel_loop3A_266, %parallel_loop3A_267] {strides = array<i32>} : memref<80x128xf32, #tpu.memory_space<vmem>>, vector<16xf32>,
          %parallel_loop3A_269 = arith.mulf %parallel_loop3A_265, %parallel_loop3A_268 : vector<16xf32>
          %parallel_loop3A_270 = arith.addf %parallel_loop3A_262, %parallel_loop3A_269 : vector<16xf32>
          %parallel_loop3A_271 = arith.index_cast %parallel_loop3A_255 : i32 to index
          %parallel_loop3A_272 = arith.constant 32 : index
          %parallel_loop3A_273 = tpu.vector_load %arg12[%parallel_loop3A_271, %parallel_loop3A_272] {strides = array<i32>} : memref<80x128xf32, #tpu.memory_space<vmem>>, vector<16xf32>,
          %parallel_loop3A_274 = arith.index_cast %parallel_loop3A_255 : i32 to index
          %parallel_loop3A_275 = arith.constant 32 : index
          %parallel_loop3A_276 = tpu.vector_load %arg13[%parallel_loop3A_274, %parallel_loop3A_275] {strides = array<i32>} : memref<80x128xf32, #tpu.memory_space<vmem>>, vector<16xf32>,
          %parallel_loop3A_277 = arith.mulf %parallel_loop3A_273, %parallel_loop3A_276 : vector<16xf32>
          %parallel_loop3A_278 = arith.addf %parallel_loop3A_270, %parallel_loop3A_277 : vector<16xf32>
          %parallel_loop3A_279 = arith.index_cast %parallel_loop3A_255 : i32 to index
          %parallel_loop3A_280 = arith.constant 48 : index
          %parallel_loop3A_281 = tpu.vector_load %arg12[%parallel_loop3A_279, %parallel_loop3A_280] {strides = array<i32>} : memref<80x128xf32, #tpu.memory_space<vmem>>, vector<16xf32>,
          %parallel_loop3A_282 = arith.index_cast %parallel_loop3A_255 : i32 to index
          %parallel_loop3A_283 = arith.constant 48 : index
          %parallel_loop3A_284 = tpu.vector_load %arg13[%parallel_loop3A_282, %parallel_loop3A_283] {strides = array<i32>} : memref<80x128xf32, #tpu.memory_space<vmem>>, vector<16xf32>,
          %parallel_loop3A_285 = arith.mulf %parallel_loop3A_281, %parallel_loop3A_284 : vector<16xf32>
          %parallel_loop3A_286 = arith.addf %parallel_loop3A_278, %parallel_loop3A_285 : vector<16xf32>
          %parallel_loop3A_287 = arith.index_cast %parallel_loop3A_255 : i32 to index
          %parallel_loop3A_288 = arith.constant 64 : index
          %parallel_loop3A_289 = tpu.vector_load %arg12[%parallel_loop3A_287, %parallel_loop3A_288] {strides = array<i32>} : memref<80x128xf32, #tpu.memory_space<vmem>>, vector<16xf32>,
          %parallel_loop3A_290 = arith.index_cast %parallel_loop3A_255 : i32 to index
          %parallel_loop3A_291 = arith.constant 64 : index
          %parallel_loop3A_292 = tpu.vector_load %arg13[%parallel_loop3A_290, %parallel_loop3A_291] {strides = array<i32>} : memref<80x128xf32, #tpu.memory_space<vmem>>, vector<16xf32>,
          %parallel_loop3A_293 = arith.mulf %parallel_loop3A_289, %parallel_loop3A_292 : vector<16xf32>
          %parallel_loop3A_294 = arith.addf %parallel_loop3A_286, %parallel_loop3A_293 : vector<16xf32>
          %parallel_loop3A_295 = arith.index_cast %parallel_loop3A_255 : i32 to index
          %parallel_loop3A_296 = arith.constant 80 : index
          %parallel_loop3A_297 = tpu.vector_load %arg12[%parallel_loop3A_295, %parallel_loop3A_296] {strides = array<i32>} : memref<80x128xf32, #tpu.memory_space<vmem>>, vector<16xf32>,
          %parallel_loop3A_298 = arith.index_cast %parallel_loop3A_255 : i32 to index
          %parallel_loop3A_299 = arith.constant 80 : index
          %parallel_loop3A_300 = tpu.vector_load %arg13[%parallel_loop3A_298, %parallel_loop3A_299] {strides = array<i32>} : memref<80x128xf32, #tpu.memory_space<vmem>>, vector<16xf32>,
          %parallel_loop3A_301 = arith.mulf %parallel_loop3A_297, %parallel_loop3A_300 : vector<16xf32>
          %parallel_loop3A_302 = arith.addf %parallel_loop3A_294, %parallel_loop3A_301 : vector<16xf32>
          %parallel_loop3A_303 = arith.index_cast %parallel_loop3A_255 : i32 to index
          %parallel_loop3A_304 = arith.constant 96 : index
          %parallel_loop3A_305 = tpu.vector_load %arg12[%parallel_loop3A_303, %parallel_loop3A_304] {strides = array<i32>} : memref<80x128xf32, #tpu.memory_space<vmem>>, vector<16xf32>,
          %parallel_loop3A_306 = arith.index_cast %parallel_loop3A_255 : i32 to index
          %parallel_loop3A_307 = arith.constant 96 : index
          %parallel_loop3A_308 = tpu.vector_load %arg13[%parallel_loop3A_306, %parallel_loop3A_307] {strides = array<i32>} : memref<80x128xf32, #tpu.memory_space<vmem>>, vector<16xf32>,
          %parallel_loop3A_309 = arith.mulf %parallel_loop3A_305, %parallel_loop3A_308 : vector<16xf32>
          %parallel_loop3A_310 = arith.addf %parallel_loop3A_302, %parallel_loop3A_309 : vector<16xf32>
          %parallel_loop3A_311 = arith.index_cast %parallel_loop3A_255 : i32 to index
          %parallel_loop3A_312 = arith.constant 112 : index
          %parallel_loop3A_313 = tpu.vector_load %arg12[%parallel_loop3A_311, %parallel_loop3A_312] {strides = array<i32>} : memref<80x128xf32, #tpu.memory_space<vmem>>, vector<16xf32>,
          %parallel_loop3A_314 = arith.index_cast %parallel_loop3A_255 : i32 to index
          %parallel_loop3A_315 = arith.constant 112 : index
          %parallel_loop3A_316 = tpu.vector_load %arg13[%parallel_loop3A_314, %parallel_loop3A_315] {strides = array<i32>} : memref<80x128xf32, #tpu.memory_space<vmem>>, vector<16xf32>,
          %parallel_loop3A_317 = arith.mulf %parallel_loop3A_313, %parallel_loop3A_316 : vector<16xf32>
          %parallel_loop3A_318 = arith.addf %parallel_loop3A_310, %parallel_loop3A_317 : vector<16xf32>
          %parallel_loop3A_319 = vector.broadcast %parallel_loop3A_254 : i32 to vector<16xi32>
          %parallel_loop3A_320 = arith.cmpi eq, %iota3A, %parallel_loop3A_319 : vector<16xi32>
          %parallel_loop3A_321 = arith.constant true
          %parallel_loop3A_322 = vector.broadcast %parallel_loop3A_321 : i1 to vector<16xi1>
          %parallel_loop3A_323 = tpu.scan <sum>, %parallel_loop3A_318 masked %parallel_loop3A_322 : vector<16xf32>, vector<16xi1> -> vector<16xf32>
          %parallel_loop3A_324 = vector.extract %parallel_loop3A_323[15] : f32 from vector<16xf32>
          %parallel_loop3A_325 = vector.broadcast %parallel_loop3A_324 : f32 to vector<16xf32>
          %parallel_loop3A_326 = arith.select %parallel_loop3A_320, %parallel_loop3A_325, %parallel_loop3A_252 : vector<16xi1>, vector<16xf32>
          %parallel_loop3A_327 = arith.constant 2 : i32
          %parallel_loop3A_328 = arith.addi %scan3A_179, %parallel_loop3A_327 : i32
          %parallel_loop3A_329 = arith.addi %parallel_loop3A_158, %parallel_loop3A_328 : i32
          %parallel_loop3A_330 = arith.index_cast %parallel_loop3A_329 : i32 to index
          %parallel_loop3A_331 = arith.constant 0 : index
          %parallel_loop3A_332 = tpu.vector_load %arg12[%parallel_loop3A_330, %parallel_loop3A_331] {strides = array<i32>} : memref<80x128xf32, #tpu.memory_space<vmem>>, vector<16xf32>,
          %parallel_loop3A_333 = arith.index_cast %parallel_loop3A_329 : i32 to index
          %parallel_loop3A_334 = arith.constant 0 : index
          %parallel_loop3A_335 = tpu.vector_load %arg13[%parallel_loop3A_333, %parallel_loop3A_334] {strides = array<i32>} : memref<80x128xf32, #tpu.memory_space<vmem>>, vector<16xf32>,
          %parallel_loop3A_336 = arith.mulf %parallel_loop3A_332, %parallel_loop3A_335 : vector<16xf32>
          %parallel_loop3A_337 = arith.index_cast %parallel_loop3A_329 : i32 to index
          %parallel_loop3A_338 = arith.constant 16 : index
          %parallel_loop3A_339 = tpu.vector_load %arg12[%parallel_loop3A_337, %parallel_loop3A_338] {strides = array<i32>} : memref<80x128xf32, #tpu.memory_space<vmem>>, vector<16xf32>,
          %parallel_loop3A_340 = arith.index_cast %parallel_loop3A_329 : i32 to index
          %parallel_loop3A_341 = arith.constant 16 : index
          %parallel_loop3A_342 = tpu.vector_load %arg13[%parallel_loop3A_340, %parallel_loop3A_341] {strides = array<i32>} : memref<80x128xf32, #tpu.memory_space<vmem>>, vector<16xf32>,
          %parallel_loop3A_343 = arith.mulf %parallel_loop3A_339, %parallel_loop3A_342 : vector<16xf32>
          %parallel_loop3A_344 = arith.addf %parallel_loop3A_336, %parallel_loop3A_343 : vector<16xf32>
          %parallel_loop3A_345 = arith.index_cast %parallel_loop3A_329 : i32 to index
          %parallel_loop3A_346 = arith.constant 32 : index
          %parallel_loop3A_347 = tpu.vector_load %arg12[%parallel_loop3A_345, %parallel_loop3A_346] {strides = array<i32>} : memref<80x128xf32, #tpu.memory_space<vmem>>, vector<16xf32>,
          %parallel_loop3A_348 = arith.index_cast %parallel_loop3A_329 : i32 to index
          %parallel_loop3A_349 = arith.constant 32 : index
          %parallel_loop3A_350 = tpu.vector_load %arg13[%parallel_loop3A_348, %parallel_loop3A_349] {strides = array<i32>} : memref<80x128xf32, #tpu.memory_space<vmem>>, vector<16xf32>,
          %parallel_loop3A_351 = arith.mulf %parallel_loop3A_347, %parallel_loop3A_350 : vector<16xf32>
          %parallel_loop3A_352 = arith.addf %parallel_loop3A_344, %parallel_loop3A_351 : vector<16xf32>
          %parallel_loop3A_353 = arith.index_cast %parallel_loop3A_329 : i32 to index
          %parallel_loop3A_354 = arith.constant 48 : index
          %parallel_loop3A_355 = tpu.vector_load %arg12[%parallel_loop3A_353, %parallel_loop3A_354] {strides = array<i32>} : memref<80x128xf32, #tpu.memory_space<vmem>>, vector<16xf32>,
          %parallel_loop3A_356 = arith.index_cast %parallel_loop3A_329 : i32 to index
          %parallel_loop3A_357 = arith.constant 48 : index
          %parallel_loop3A_358 = tpu.vector_load %arg13[%parallel_loop3A_356, %parallel_loop3A_357] {strides = array<i32>} : memref<80x128xf32, #tpu.memory_space<vmem>>, vector<16xf32>,
          %parallel_loop3A_359 = arith.mulf %parallel_loop3A_355, %parallel_loop3A_358 : vector<16xf32>
          %parallel_loop3A_360 = arith.addf %parallel_loop3A_352, %parallel_loop3A_359 : vector<16xf32>
          %parallel_loop3A_361 = arith.index_cast %parallel_loop3A_329 : i32 to index
          %parallel_loop3A_362 = arith.constant 64 : index
          %parallel_loop3A_363 = tpu.vector_load %arg12[%parallel_loop3A_361, %parallel_loop3A_362] {strides = array<i32>} : memref<80x128xf32, #tpu.memory_space<vmem>>, vector<16xf32>,
          %parallel_loop3A_364 = arith.index_cast %parallel_loop3A_329 : i32 to index
          %parallel_loop3A_365 = arith.constant 64 : index
          %parallel_loop3A_366 = tpu.vector_load %arg13[%parallel_loop3A_364, %parallel_loop3A_365] {strides = array<i32>} : memref<80x128xf32, #tpu.memory_space<vmem>>, vector<16xf32>,
          %parallel_loop3A_367 = arith.mulf %parallel_loop3A_363, %parallel_loop3A_366 : vector<16xf32>
          %parallel_loop3A_368 = arith.addf %parallel_loop3A_360, %parallel_loop3A_367 : vector<16xf32>
          %parallel_loop3A_369 = arith.index_cast %parallel_loop3A_329 : i32 to index
          %parallel_loop3A_370 = arith.constant 80 : index
          %parallel_loop3A_371 = tpu.vector_load %arg12[%parallel_loop3A_369, %parallel_loop3A_370] {strides = array<i32>} : memref<80x128xf32, #tpu.memory_space<vmem>>, vector<16xf32>,
          %parallel_loop3A_372 = arith.index_cast %parallel_loop3A_329 : i32 to index
          %parallel_loop3A_373 = arith.constant 80 : index
          %parallel_loop3A_374 = tpu.vector_load %arg13[%parallel_loop3A_372, %parallel_loop3A_373] {strides = array<i32>} : memref<80x128xf32, #tpu.memory_space<vmem>>, vector<16xf32>,
          %parallel_loop3A_375 = arith.mulf %parallel_loop3A_371, %parallel_loop3A_374 : vector<16xf32>
          %parallel_loop3A_376 = arith.addf %parallel_loop3A_368, %parallel_loop3A_375 : vector<16xf32>
          %parallel_loop3A_377 = arith.index_cast %parallel_loop3A_329 : i32 to index
          %parallel_loop3A_378 = arith.constant 96 : index
          %parallel_loop3A_379 = tpu.vector_load %arg12[%parallel_loop3A_377, %parallel_loop3A_378] {strides = array<i32>} : memref<80x128xf32, #tpu.memory_space<vmem>>, vector<16xf32>,
          %parallel_loop3A_380 = arith.index_cast %parallel_loop3A_329 : i32 to index
          %parallel_loop3A_381 = arith.constant 96 : index
          %parallel_loop3A_382 = tpu.vector_load %arg13[%parallel_loop3A_380, %parallel_loop3A_381] {strides = array<i32>} : memref<80x128xf32, #tpu.memory_space<vmem>>, vector<16xf32>,
          %parallel_loop3A_383 = arith.mulf %parallel_loop3A_379, %parallel_loop3A_382 : vector<16xf32>
          %parallel_loop3A_384 = arith.addf %parallel_loop3A_376, %parallel_loop3A_383 : vector<16xf32>
          %parallel_loop3A_385 = arith.index_cast %parallel_loop3A_329 : i32 to index
          %parallel_loop3A_386 = arith.constant 112 : index
          %parallel_loop3A_387 = tpu.vector_load %arg12[%parallel_loop3A_385, %parallel_loop3A_386] {strides = array<i32>} : memref<80x128xf32, #tpu.memory_space<vmem>>, vector<16xf32>,
          %parallel_loop3A_388 = arith.index_cast %parallel_loop3A_329 : i32 to index
          %parallel_loop3A_389 = arith.constant 112 : index
          %parallel_loop3A_390 = tpu.vector_load %arg13[%parallel_loop3A_388, %parallel_loop3A_389] {strides = array<i32>} : memref<80x128xf32, #tpu.memory_space<vmem>>, vector<16xf32>,
          %parallel_loop3A_391 = arith.mulf %parallel_loop3A_387, %parallel_loop3A_390 : vector<16xf32>
          %parallel_loop3A_392 = arith.addf %parallel_loop3A_384, %parallel_loop3A_391 : vector<16xf32>
          %parallel_loop3A_393 = vector.broadcast %parallel_loop3A_328 : i32 to vector<16xi32>
          %parallel_loop3A_394 = arith.cmpi eq, %iota3A, %parallel_loop3A_393 : vector<16xi32>
          %parallel_loop3A_395 = arith.constant true
          %parallel_loop3A_396 = vector.broadcast %parallel_loop3A_395 : i1 to vector<16xi1>
          %parallel_loop3A_397 = tpu.scan <sum>, %parallel_loop3A_392 masked %parallel_loop3A_396 : vector<16xf32>, vector<16xi1> -> vector<16xf32>
          %parallel_loop3A_398 = vector.extract %parallel_loop3A_397[15] : f32 from vector<16xf32>
          %parallel_loop3A_399 = vector.broadcast %parallel_loop3A_398 : f32 to vector<16xf32>
          %parallel_loop3A_400 = arith.select %parallel_loop3A_394, %parallel_loop3A_399, %parallel_loop3A_326 : vector<16xi1>, vector<16xf32>
          %parallel_loop3A_401 = arith.constant 3 : i32
          %parallel_loop3A_402 = arith.addi %scan3A_179, %parallel_loop3A_401 : i32
          %parallel_loop3A_403 = arith.addi %parallel_loop3A_158, %parallel_loop3A_402 : i32
          %parallel_loop3A_404 = arith.index_cast %parallel_loop3A_403 : i32 to index
          %parallel_loop3A_405 = arith.constant 0 : index
          %parallel_loop3A_406 = tpu.vector_load %arg12[%parallel_loop3A_404, %parallel_loop3A_405] {strides = array<i32>} : memref<80x128xf32, #tpu.memory_space<vmem>>, vector<16xf32>,
          %parallel_loop3A_407 = arith.index_cast %parallel_loop3A_403 : i32 to index
          %parallel_loop3A_408 = arith.constant 0 : index
          %parallel_loop3A_409 = tpu.vector_load %arg13[%parallel_loop3A_407, %parallel_loop3A_408] {strides = array<i32>} : memref<80x128xf32, #tpu.memory_space<vmem>>, vector<16xf32>,
          %parallel_loop3A_410 = arith.mulf %parallel_loop3A_406, %parallel_loop3A_409 : vector<16xf32>
          %parallel_loop3A_411 = arith.index_cast %parallel_loop3A_403 : i32 to index
          %parallel_loop3A_412 = arith.constant 16 : index
          %parallel_loop3A_413 = tpu.vector_load %arg12[%parallel_loop3A_411, %parallel_loop3A_412] {strides = array<i32>} : memref<80x128xf32, #tpu.memory_space<vmem>>, vector<16xf32>,
          %parallel_loop3A_414 = arith.index_cast %parallel_loop3A_403 : i32 to index
          %parallel_loop3A_415 = arith.constant 16 : index
          %parallel_loop3A_416 = tpu.vector_load %arg13[%parallel_loop3A_414, %parallel_loop3A_415] {strides = array<i32>} : memref<80x128xf32, #tpu.memory_space<vmem>>, vector<16xf32>,
          %parallel_loop3A_417 = arith.mulf %parallel_loop3A_413, %parallel_loop3A_416 : vector<16xf32>
          %parallel_loop3A_418 = arith.addf %parallel_loop3A_410, %parallel_loop3A_417 : vector<16xf32>
          %parallel_loop3A_419 = arith.index_cast %parallel_loop3A_403 : i32 to index
          %parallel_loop3A_420 = arith.constant 32 : index
          %parallel_loop3A_421 = tpu.vector_load %arg12[%parallel_loop3A_419, %parallel_loop3A_420] {strides = array<i32>} : memref<80x128xf32, #tpu.memory_space<vmem>>, vector<16xf32>,
          %parallel_loop3A_422 = arith.index_cast %parallel_loop3A_403 : i32 to index
          %parallel_loop3A_423 = arith.constant 32 : index
          %parallel_loop3A_424 = tpu.vector_load %arg13[%parallel_loop3A_422, %parallel_loop3A_423] {strides = array<i32>} : memref<80x128xf32, #tpu.memory_space<vmem>>, vector<16xf32>,
          %parallel_loop3A_425 = arith.mulf %parallel_loop3A_421, %parallel_loop3A_424 : vector<16xf32>
          %parallel_loop3A_426 = arith.addf %parallel_loop3A_418, %parallel_loop3A_425 : vector<16xf32>
          %parallel_loop3A_427 = arith.index_cast %parallel_loop3A_403 : i32 to index
          %parallel_loop3A_428 = arith.constant 48 : index
          %parallel_loop3A_429 = tpu.vector_load %arg12[%parallel_loop3A_427, %parallel_loop3A_428] {strides = array<i32>} : memref<80x128xf32, #tpu.memory_space<vmem>>, vector<16xf32>,
          %parallel_loop3A_430 = arith.index_cast %parallel_loop3A_403 : i32 to index
          %parallel_loop3A_431 = arith.constant 48 : index
          %parallel_loop3A_432 = tpu.vector_load %arg13[%parallel_loop3A_430, %parallel_loop3A_431] {strides = array<i32>} : memref<80x128xf32, #tpu.memory_space<vmem>>, vector<16xf32>,
          %parallel_loop3A_433 = arith.mulf %parallel_loop3A_429, %parallel_loop3A_432 : vector<16xf32>
          %parallel_loop3A_434 = arith.addf %parallel_loop3A_426, %parallel_loop3A_433 : vector<16xf32>
          %parallel_loop3A_435 = arith.index_cast %parallel_loop3A_403 : i32 to index
          %parallel_loop3A_436 = arith.constant 64 : index
          %parallel_loop3A_437 = tpu.vector_load %arg12[%parallel_loop3A_435, %parallel_loop3A_436] {strides = array<i32>} : memref<80x128xf32, #tpu.memory_space<vmem>>, vector<16xf32>,
          %parallel_loop3A_438 = arith.index_cast %parallel_loop3A_403 : i32 to index
          %parallel_loop3A_439 = arith.constant 64 : index
          %parallel_loop3A_440 = tpu.vector_load %arg13[%parallel_loop3A_438, %parallel_loop3A_439] {strides = array<i32>} : memref<80x128xf32, #tpu.memory_space<vmem>>, vector<16xf32>,
          %parallel_loop3A_441 = arith.mulf %parallel_loop3A_437, %parallel_loop3A_440 : vector<16xf32>
          %parallel_loop3A_442 = arith.addf %parallel_loop3A_434, %parallel_loop3A_441 : vector<16xf32>
          %parallel_loop3A_443 = arith.index_cast %parallel_loop3A_403 : i32 to index
          %parallel_loop3A_444 = arith.constant 80 : index
          %parallel_loop3A_445 = tpu.vector_load %arg12[%parallel_loop3A_443, %parallel_loop3A_444] {strides = array<i32>} : memref<80x128xf32, #tpu.memory_space<vmem>>, vector<16xf32>,
          %parallel_loop3A_446 = arith.index_cast %parallel_loop3A_403 : i32 to index
          %parallel_loop3A_447 = arith.constant 80 : index
          %parallel_loop3A_448 = tpu.vector_load %arg13[%parallel_loop3A_446, %parallel_loop3A_447] {strides = array<i32>} : memref<80x128xf32, #tpu.memory_space<vmem>>, vector<16xf32>,
          %parallel_loop3A_449 = arith.mulf %parallel_loop3A_445, %parallel_loop3A_448 : vector<16xf32>
          %parallel_loop3A_450 = arith.addf %parallel_loop3A_442, %parallel_loop3A_449 : vector<16xf32>
          %parallel_loop3A_451 = arith.index_cast %parallel_loop3A_403 : i32 to index
          %parallel_loop3A_452 = arith.constant 96 : index
          %parallel_loop3A_453 = tpu.vector_load %arg12[%parallel_loop3A_451, %parallel_loop3A_452] {strides = array<i32>} : memref<80x128xf32, #tpu.memory_space<vmem>>, vector<16xf32>,
          %parallel_loop3A_454 = arith.index_cast %parallel_loop3A_403 : i32 to index
          %parallel_loop3A_455 = arith.constant 96 : index
          %parallel_loop3A_456 = tpu.vector_load %arg13[%parallel_loop3A_454, %parallel_loop3A_455] {strides = array<i32>} : memref<80x128xf32, #tpu.memory_space<vmem>>, vector<16xf32>,
          %parallel_loop3A_457 = arith.mulf %parallel_loop3A_453, %parallel_loop3A_456 : vector<16xf32>
          %parallel_loop3A_458 = arith.addf %parallel_loop3A_450, %parallel_loop3A_457 : vector<16xf32>
          %parallel_loop3A_459 = arith.index_cast %parallel_loop3A_403 : i32 to index
          %parallel_loop3A_460 = arith.constant 112 : index
          %parallel_loop3A_461 = tpu.vector_load %arg12[%parallel_loop3A_459, %parallel_loop3A_460] {strides = array<i32>} : memref<80x128xf32, #tpu.memory_space<vmem>>, vector<16xf32>,
          %parallel_loop3A_462 = arith.index_cast %parallel_loop3A_403 : i32 to index
          %parallel_loop3A_463 = arith.constant 112 : index
          %parallel_loop3A_464 = tpu.vector_load %arg13[%parallel_loop3A_462, %parallel_loop3A_463] {strides = array<i32>} : memref<80x128xf32, #tpu.memory_space<vmem>>, vector<16xf32>,
          %parallel_loop3A_465 = arith.mulf %parallel_loop3A_461, %parallel_loop3A_464 : vector<16xf32>
          %parallel_loop3A_466 = arith.addf %parallel_loop3A_458, %parallel_loop3A_465 : vector<16xf32>
          %parallel_loop3A_467 = vector.broadcast %parallel_loop3A_402 : i32 to vector<16xi32>
          %parallel_loop3A_468 = arith.cmpi eq, %iota3A, %parallel_loop3A_467 : vector<16xi32>
          %parallel_loop3A_469 = arith.constant true
          %parallel_loop3A_470 = vector.broadcast %parallel_loop3A_469 : i1 to vector<16xi1>
          %parallel_loop3A_471 = tpu.scan <sum>, %parallel_loop3A_466 masked %parallel_loop3A_470 : vector<16xf32>, vector<16xi1> -> vector<16xf32>
          %parallel_loop3A_472 = vector.extract %parallel_loop3A_471[15] : f32 from vector<16xf32>
          %parallel_loop3A_473 = vector.broadcast %parallel_loop3A_472 : f32 to vector<16xf32>
          %parallel_loop3A_474 = arith.select %parallel_loop3A_468, %parallel_loop3A_473, %parallel_loop3A_400 : vector<16xi1>, vector<16xf32>
          scf.yield %parallel_loop3A_474 : vector<16xf32>
        }
        %parallel_loop3A_166 = arith.constant 16 : i32
        %parallel_loop3A_167 = arith.constant 0.000000e+00 : f32
        %parallel_loop3A_168 = vector.broadcast %parallel_loop3A_167 : f32 to vector<16xf32>
        %parallel_loop3A_169 = arith.subf %parallel_loop3A_168, %parallel_loop3A_165 : vector<16xf32>
        %parallel_loop3A_170 = math.exp %parallel_loop3A_169 : vector<16xf32>
        %parallel_loop3A_171 = arith.constant 1.000000e+00 : f32
        %parallel_loop3A_172 = vector.broadcast %parallel_loop3A_171 : f32 to vector<16xf32>
        %parallel_loop3A_173 = arith.addf %parallel_loop3A_172, %parallel_loop3A_170 : vector<16xf32>
        %parallel_loop3A_174 = arith.constant 1.000000e+00 : f32
        %parallel_loop3A_175 = vector.broadcast %parallel_loop3A_174 : f32 to vector<16xf32>
        %parallel_loop3A_176 = arith.divf %parallel_loop3A_175, %parallel_loop3A_173 : vector<16xf32>
        %parallel_loop3A_177 = arith.index_cast %parallel_loop3A_158 : i32 to index
        %parallel_loop3A_178 = tpu.vector_load %arg15[%parallel_loop3A_177] {strides = array<i32>} : memref<80xf32, #tpu.memory_space<vmem>>, vector<16xf32>,
        tpu.vector_store %arg15[%parallel_loop3A_177], %parallel_loop3A_176 {strides = array<i32>} : memref<80xf32, #tpu.memory_space<vmem>>, vector<16xf32>,
      } {sc.loop_unroll_factor = 1 : i64, sc.parallel_access}
      %mul3A_151 = arith.constant 80 : i32
      %mul3A_152 = arith.muli %add3A_116, %mul3A_151 : i32
      %add3A_153 = arith.addi %mul3A_2, %mul3A_152 : i32
      %dma_start3A_154 = tpu.memref_slice %arg4[%add3A_153] : memref<320000xf32, #tpu.memory_space<hbm>> -> memref<80xf32, #tpu.memory_space<hbm>>
      %dma_start3A_155 = tpu.memref_slice %arg4[%add3A_153] : memref<320000xf32, #tpu.memory_space<hbm>> -> memref<80xf32, #tpu.memory_space<hbm>>
      tpu.enqueue_dma source(%arg15 : memref<80xf32, #tpu.memory_space<vmem>>) target(%dma_start3A_155 : memref<80xf32, #tpu.memory_space<hbm>>) target_semaphore(%arg21 : memref<!tpu.dma_semaphore, #tpu.memory_space<semaphore_mem>>)
    }
    %scan3A_41 = arith.constant 62 : i32
    %dma_wait3A_42 = arith.constant 0 : i32
    %dma_wait3A_43 = arith.constant 0 : i32
    %dma_wait3A_44 = tpu.memref_slice %arg2[%dma_wait3A_42, %dma_wait3A_43] : memref<10000x128xf32, #tpu.memory_space<hbm>> -> memref<80x128xf32, #tpu.memory_space<hbm>>
    %dma_wait3A_45 = arith.constant 0 : i32
    %dma_wait3A_46 = arith.constant 0 : i32
    %dma_wait3A_47 = tpu.memref_slice %arg2[%dma_wait3A_45, %dma_wait3A_46] : memref<10000x128xf32, #tpu.memory_space<hbm>> -> memref<80x128xf32, #tpu.memory_space<hbm>>
    tpu.wait_dma2 semaphore(%arg18 : memref<!tpu.dma_semaphore, #tpu.memory_space<semaphore_mem>>) src(%dma_wait3A_47 : memref<80x128xf32, #tpu.memory_space<hbm>>) dst(%arg10 : memref<80x128xf32, #tpu.memory_space<vmem>>)
    %dma_wait3A_48 = arith.constant 0 : i32
    %dma_wait3A_49 = arith.constant 0 : i32
    %dma_wait3A_50 = tpu.memref_slice %arg2[%dma_wait3A_48, %dma_wait3A_49] : memref<10000x128xf32, #tpu.memory_space<hbm>> -> memref<80x128xf32, #tpu.memory_space<hbm>>
    %dma_wait3A_51 = arith.constant 0 : i32
    %dma_wait3A_52 = arith.constant 0 : i32
    %dma_wait3A_53 = tpu.memref_slice %arg2[%dma_wait3A_51, %dma_wait3A_52] : memref<10000x128xf32, #tpu.memory_space<hbm>> -> memref<80x128xf32, #tpu.memory_space<hbm>>
    tpu.wait_dma2 semaphore(%arg18 : memref<!tpu.dma_semaphore, #tpu.memory_space<semaphore_mem>>) src(%dma_wait3A_53 : memref<80x128xf32, #tpu.memory_space<hbm>>) dst(%arg11 : memref<80x128xf32, #tpu.memory_space<vmem>>)
    %dma_wait3A_54 = arith.constant 0 : i32
    %dma_wait3A_55 = tpu.memref_slice %arg4[%dma_wait3A_54] : memref<320000xf32, #tpu.memory_space<hbm>> -> memref<80xf32, #tpu.memory_space<hbm>>
    %dma_wait3A_56 = arith.constant 0 : i32
    %dma_wait3A_57 = tpu.memref_slice %arg4[%dma_wait3A_56] : memref<320000xf32, #tpu.memory_space<hbm>> -> memref<80xf32, #tpu.memory_space<hbm>>
    tpu.wait_dma2 semaphore(%arg20 : memref<!tpu.dma_semaphore, #tpu.memory_space<semaphore_mem>>) src(%arg14 : memref<80xf32, #tpu.memory_space<vmem>>) dst(%dma_wait3A_57 : memref<80xf32, #tpu.memory_space<hbm>>)
    %parallel_loop3A = arith.constant 0 : i32
    %parallel_loop3A_58 = arith.constant 5 : i32
    %parallel_loop3A_59 = arith.constant 1 : i32
    scf.for %parallel_loop3A_72 = %parallel_loop3A to %parallel_loop3A_58 step %parallel_loop3A_59  : i32 {
      %parallel_loop3A_73 = arith.constant 16 : i32
      %parallel_loop3A_74 = arith.muli %parallel_loop3A_72, %parallel_loop3A_73 : i32
      %parallel_loop3A_75 = arith.constant 0.000000e+00 : f32
      %parallel_loop3A_76 = vector.broadcast %parallel_loop3A_75 : f32 to vector<16xf32>
      %parallel_loop3A_77 = arith.constant 0 : i32
      %parallel_loop3A_78 = arith.constant 16 : i32
      %parallel_loop3A_79 = arith.addi %parallel_loop3A_77, %parallel_loop3A_78 : i32
      %parallel_loop3A_80 = arith.constant 4 : i32
      %parallel_loop3A_81 = scf.for %scan3A_95 = %parallel_loop3A_77 to %parallel_loop3A_79 step %parallel_loop3A_80 iter_args(%scan3A_96 = %parallel_loop3A_76) -> (vector<16xf32>)  : i32 {
        %parallel_loop3A_97 = arith.addi %parallel_loop3A_74, %scan3A_95 : i32
        %parallel_loop3A_98 = arith.index_cast %parallel_loop3A_97 : i32 to index
        %parallel_loop3A_99 = arith.constant 0 : index
        %parallel_loop3A_100 = tpu.vector_load %arg10[%parallel_loop3A_98, %parallel_loop3A_99] {strides = array<i32>} : memref<80x128xf32, #tpu.memory_space<vmem>>, vector<16xf32>,
        %parallel_loop3A_101 = arith.index_cast %parallel_loop3A_97 : i32 to index
        %parallel_loop3A_102 = arith.constant 0 : index
        %parallel_loop3A_103 = tpu.vector_load %arg11[%parallel_loop3A_101, %parallel_loop3A_102] {strides = array<i32>} : memref<80x128xf32, #tpu.memory_space<vmem>>, vector<16xf32>,
        %parallel_loop3A_104 = arith.mulf %parallel_loop3A_100, %parallel_loop3A_103 : vector<16xf32>
        %parallel_loop3A_105 = arith.index_cast %parallel_loop3A_97 : i32 to index
        %parallel_loop3A_106 = arith.constant 16 : index
        %parallel_loop3A_107 = tpu.vector_load %arg10[%parallel_loop3A_105, %parallel_loop3A_106] {strides = array<i32>} : memref<80x128xf32, #tpu.memory_space<vmem>>, vector<16xf32>,
        %parallel_loop3A_108 = arith.index_cast %parallel_loop3A_97 : i32 to index
        %parallel_loop3A_109 = arith.constant 16 : index
        %parallel_loop3A_110 = tpu.vector_load %arg11[%parallel_loop3A_108, %parallel_loop3A_109] {strides = array<i32>} : memref<80x128xf32, #tpu.memory_space<vmem>>, vector<16xf32>,
        %parallel_loop3A_111 = arith.mulf %parallel_loop3A_107, %parallel_loop3A_110 : vector<16xf32>
        %parallel_loop3A_112 = arith.addf %parallel_loop3A_104, %parallel_loop3A_111 : vector<16xf32>
        %parallel_loop3A_113 = arith.index_cast %parallel_loop3A_97 : i32 to index
        %parallel_loop3A_114 = arith.constant 32 : index
        %parallel_loop3A_115 = tpu.vector_load %arg10[%parallel_loop3A_113, %parallel_loop3A_114] {strides = array<i32>} : memref<80x128xf32, #tpu.memory_space<vmem>>, vector<16xf32>,
        %parallel_loop3A_116 = arith.index_cast %parallel_loop3A_97 : i32 to index
        %parallel_loop3A_117 = arith.constant 32 : index
        %parallel_loop3A_118 = tpu.vector_load %arg11[%parallel_loop3A_116, %parallel_loop3A_117] {strides = array<i32>} : memref<80x128xf32, #tpu.memory_space<vmem>>, vector<16xf32>,
        %parallel_loop3A_119 = arith.mulf %parallel_loop3A_115, %parallel_loop3A_118 : vector<16xf32>
        %parallel_loop3A_120 = arith.addf %parallel_loop3A_112, %parallel_loop3A_119 : vector<16xf32>
        %parallel_loop3A_121 = arith.index_cast %parallel_loop3A_97 : i32 to index
        %parallel_loop3A_122 = arith.constant 48 : index
        %parallel_loop3A_123 = tpu.vector_load %arg10[%parallel_loop3A_121, %parallel_loop3A_122] {strides = array<i32>} : memref<80x128xf32, #tpu.memory_space<vmem>>, vector<16xf32>,
        %parallel_loop3A_124 = arith.index_cast %parallel_loop3A_97 : i32 to index
        %parallel_loop3A_125 = arith.constant 48 : index
        %parallel_loop3A_126 = tpu.vector_load %arg11[%parallel_loop3A_124, %parallel_loop3A_125] {strides = array<i32>} : memref<80x128xf32, #tpu.memory_space<vmem>>, vector<16xf32>,
        %parallel_loop3A_127 = arith.mulf %parallel_loop3A_123, %parallel_loop3A_126 : vector<16xf32>
        %parallel_loop3A_128 = arith.addf %parallel_loop3A_120, %parallel_loop3A_127 : vector<16xf32>
        %parallel_loop3A_129 = arith.index_cast %parallel_loop3A_97 : i32 to index
        %parallel_loop3A_130 = arith.constant 64 : index
        %parallel_loop3A_131 = tpu.vector_load %arg10[%parallel_loop3A_129, %parallel_loop3A_130] {strides = array<i32>} : memref<80x128xf32, #tpu.memory_space<vmem>>, vector<16xf32>,
        %parallel_loop3A_132 = arith.index_cast %parallel_loop3A_97 : i32 to index
        %parallel_loop3A_133 = arith.constant 64 : index
        %parallel_loop3A_134 = tpu.vector_load %arg11[%parallel_loop3A_132, %parallel_loop3A_133] {strides = array<i32>} : memref<80x128xf32, #tpu.memory_space<vmem>>, vector<16xf32>,
        %parallel_loop3A_135 = arith.mulf %parallel_loop3A_131, %parallel_loop3A_134 : vector<16xf32>
        %parallel_loop3A_136 = arith.addf %parallel_loop3A_128, %parallel_loop3A_135 : vector<16xf32>
        %parallel_loop3A_137 = arith.index_cast %parallel_loop3A_97 : i32 to index
        %parallel_loop3A_138 = arith.constant 80 : index
        %parallel_loop3A_139 = tpu.vector_load %arg10[%parallel_loop3A_137, %parallel_loop3A_138] {strides = array<i32>} : memref<80x128xf32, #tpu.memory_space<vmem>>, vector<16xf32>,
        %parallel_loop3A_140 = arith.index_cast %parallel_loop3A_97 : i32 to index
        %parallel_loop3A_141 = arith.constant 80 : index
        %parallel_loop3A_142 = tpu.vector_load %arg11[%parallel_loop3A_140, %parallel_loop3A_141] {strides = array<i32>} : memref<80x128xf32, #tpu.memory_space<vmem>>, vector<16xf32>,
        %parallel_loop3A_143 = arith.mulf %parallel_loop3A_139, %parallel_loop3A_142 : vector<16xf32>
        %parallel_loop3A_144 = arith.addf %parallel_loop3A_136, %parallel_loop3A_143 : vector<16xf32>
        %parallel_loop3A_145 = arith.index_cast %parallel_loop3A_97 : i32 to index
        %parallel_loop3A_146 = arith.constant 96 : index
        %parallel_loop3A_147 = tpu.vector_load %arg10[%parallel_loop3A_145, %parallel_loop3A_146] {strides = array<i32>} : memref<80x128xf32, #tpu.memory_space<vmem>>, vector<16xf32>,
        %parallel_loop3A_148 = arith.index_cast %parallel_loop3A_97 : i32 to index
        %parallel_loop3A_149 = arith.constant 96 : index
        %parallel_loop3A_150 = tpu.vector_load %arg11[%parallel_loop3A_148, %parallel_loop3A_149] {strides = array<i32>} : memref<80x128xf32, #tpu.memory_space<vmem>>, vector<16xf32>,
        %parallel_loop3A_151 = arith.mulf %parallel_loop3A_147, %parallel_loop3A_150 : vector<16xf32>
        %parallel_loop3A_152 = arith.addf %parallel_loop3A_144, %parallel_loop3A_151 : vector<16xf32>
        %parallel_loop3A_153 = arith.index_cast %parallel_loop3A_97 : i32 to index
        %parallel_loop3A_154 = arith.constant 112 : index
        %parallel_loop3A_155 = tpu.vector_load %arg10[%parallel_loop3A_153, %parallel_loop3A_154] {strides = array<i32>} : memref<80x128xf32, #tpu.memory_space<vmem>>, vector<16xf32>,
        %parallel_loop3A_156 = arith.index_cast %parallel_loop3A_97 : i32 to index
        %parallel_loop3A_157 = arith.constant 112 : index
        %parallel_loop3A_158 = tpu.vector_load %arg11[%parallel_loop3A_156, %parallel_loop3A_157] {strides = array<i32>} : memref<80x128xf32, #tpu.memory_space<vmem>>, vector<16xf32>,
        %parallel_loop3A_159 = arith.mulf %parallel_loop3A_155, %parallel_loop3A_158 : vector<16xf32>
        %parallel_loop3A_160 = arith.addf %parallel_loop3A_152, %parallel_loop3A_159 : vector<16xf32>
        %parallel_loop3A_161 = vector.broadcast %scan3A_95 : i32 to vector<16xi32>
        %parallel_loop3A_162 = arith.cmpi eq, %iota3A, %parallel_loop3A_161 : vector<16xi32>
        %parallel_loop3A_163 = arith.constant true
        %parallel_loop3A_164 = vector.broadcast %parallel_loop3A_163 : i1 to vector<16xi1>
        %parallel_loop3A_165 = tpu.scan <sum>, %parallel_loop3A_160 masked %parallel_loop3A_164 : vector<16xf32>, vector<16xi1> -> vector<16xf32>
        %parallel_loop3A_166 = vector.extract %parallel_loop3A_165[15] : f32 from vector<16xf32>
        %parallel_loop3A_167 = vector.broadcast %parallel_loop3A_166 : f32 to vector<16xf32>
        %parallel_loop3A_168 = arith.select %parallel_loop3A_162, %parallel_loop3A_167, %scan3A_96 : vector<16xi1>, vector<16xf32>
        %parallel_loop3A_169 = arith.constant 1 : i32
        %parallel_loop3A_170 = arith.addi %scan3A_95, %parallel_loop3A_169 : i32
        %parallel_loop3A_171 = arith.addi %parallel_loop3A_74, %parallel_loop3A_170 : i32
        %parallel_loop3A_172 = arith.index_cast %parallel_loop3A_171 : i32 to index
        %parallel_loop3A_173 = arith.constant 0 : index
        %parallel_loop3A_174 = tpu.vector_load %arg10[%parallel_loop3A_172, %parallel_loop3A_173] {strides = array<i32>} : memref<80x128xf32, #tpu.memory_space<vmem>>, vector<16xf32>,
        %parallel_loop3A_175 = arith.index_cast %parallel_loop3A_171 : i32 to index
        %parallel_loop3A_176 = arith.constant 0 : index
        %parallel_loop3A_177 = tpu.vector_load %arg11[%parallel_loop3A_175, %parallel_loop3A_176] {strides = array<i32>} : memref<80x128xf32, #tpu.memory_space<vmem>>, vector<16xf32>,
        %parallel_loop3A_178 = arith.mulf %parallel_loop3A_174, %parallel_loop3A_177 : vector<16xf32>
        %parallel_loop3A_179 = arith.index_cast %parallel_loop3A_171 : i32 to index
        %parallel_loop3A_180 = arith.constant 16 : index
        %parallel_loop3A_181 = tpu.vector_load %arg10[%parallel_loop3A_179, %parallel_loop3A_180] {strides = array<i32>} : memref<80x128xf32, #tpu.memory_space<vmem>>, vector<16xf32>,
        %parallel_loop3A_182 = arith.index_cast %parallel_loop3A_171 : i32 to index
        %parallel_loop3A_183 = arith.constant 16 : index
        %parallel_loop3A_184 = tpu.vector_load %arg11[%parallel_loop3A_182, %parallel_loop3A_183] {strides = array<i32>} : memref<80x128xf32, #tpu.memory_space<vmem>>, vector<16xf32>,
        %parallel_loop3A_185 = arith.mulf %parallel_loop3A_181, %parallel_loop3A_184 : vector<16xf32>
        %parallel_loop3A_186 = arith.addf %parallel_loop3A_178, %parallel_loop3A_185 : vector<16xf32>
        %parallel_loop3A_187 = arith.index_cast %parallel_loop3A_171 : i32 to index
        %parallel_loop3A_188 = arith.constant 32 : index
        %parallel_loop3A_189 = tpu.vector_load %arg10[%parallel_loop3A_187, %parallel_loop3A_188] {strides = array<i32>} : memref<80x128xf32, #tpu.memory_space<vmem>>, vector<16xf32>,
        %parallel_loop3A_190 = arith.index_cast %parallel_loop3A_171 : i32 to index
        %parallel_loop3A_191 = arith.constant 32 : index
        %parallel_loop3A_192 = tpu.vector_load %arg11[%parallel_loop3A_190, %parallel_loop3A_191] {strides = array<i32>} : memref<80x128xf32, #tpu.memory_space<vmem>>, vector<16xf32>,
        %parallel_loop3A_193 = arith.mulf %parallel_loop3A_189, %parallel_loop3A_192 : vector<16xf32>
        %parallel_loop3A_194 = arith.addf %parallel_loop3A_186, %parallel_loop3A_193 : vector<16xf32>
        %parallel_loop3A_195 = arith.index_cast %parallel_loop3A_171 : i32 to index
        %parallel_loop3A_196 = arith.constant 48 : index
        %parallel_loop3A_197 = tpu.vector_load %arg10[%parallel_loop3A_195, %parallel_loop3A_196] {strides = array<i32>} : memref<80x128xf32, #tpu.memory_space<vmem>>, vector<16xf32>,
        %parallel_loop3A_198 = arith.index_cast %parallel_loop3A_171 : i32 to index
        %parallel_loop3A_199 = arith.constant 48 : index
        %parallel_loop3A_200 = tpu.vector_load %arg11[%parallel_loop3A_198, %parallel_loop3A_199] {strides = array<i32>} : memref<80x128xf32, #tpu.memory_space<vmem>>, vector<16xf32>,
        %parallel_loop3A_201 = arith.mulf %parallel_loop3A_197, %parallel_loop3A_200 : vector<16xf32>
        %parallel_loop3A_202 = arith.addf %parallel_loop3A_194, %parallel_loop3A_201 : vector<16xf32>
        %parallel_loop3A_203 = arith.index_cast %parallel_loop3A_171 : i32 to index
        %parallel_loop3A_204 = arith.constant 64 : index
        %parallel_loop3A_205 = tpu.vector_load %arg10[%parallel_loop3A_203, %parallel_loop3A_204] {strides = array<i32>} : memref<80x128xf32, #tpu.memory_space<vmem>>, vector<16xf32>,
        %parallel_loop3A_206 = arith.index_cast %parallel_loop3A_171 : i32 to index
        %parallel_loop3A_207 = arith.constant 64 : index
        %parallel_loop3A_208 = tpu.vector_load %arg11[%parallel_loop3A_206, %parallel_loop3A_207] {strides = array<i32>} : memref<80x128xf32, #tpu.memory_space<vmem>>, vector<16xf32>,
        %parallel_loop3A_209 = arith.mulf %parallel_loop3A_205, %parallel_loop3A_208 : vector<16xf32>
        %parallel_loop3A_210 = arith.addf %parallel_loop3A_202, %parallel_loop3A_209 : vector<16xf32>
        %parallel_loop3A_211 = arith.index_cast %parallel_loop3A_171 : i32 to index
        %parallel_loop3A_212 = arith.constant 80 : index
        %parallel_loop3A_213 = tpu.vector_load %arg10[%parallel_loop3A_211, %parallel_loop3A_212] {strides = array<i32>} : memref<80x128xf32, #tpu.memory_space<vmem>>, vector<16xf32>,
        %parallel_loop3A_214 = arith.index_cast %parallel_loop3A_171 : i32 to index
        %parallel_loop3A_215 = arith.constant 80 : index
        %parallel_loop3A_216 = tpu.vector_load %arg11[%parallel_loop3A_214, %parallel_loop3A_215] {strides = array<i32>} : memref<80x128xf32, #tpu.memory_space<vmem>>, vector<16xf32>,
        %parallel_loop3A_217 = arith.mulf %parallel_loop3A_213, %parallel_loop3A_216 : vector<16xf32>
        %parallel_loop3A_218 = arith.addf %parallel_loop3A_210, %parallel_loop3A_217 : vector<16xf32>
        %parallel_loop3A_219 = arith.index_cast %parallel_loop3A_171 : i32 to index
        %parallel_loop3A_220 = arith.constant 96 : index
        %parallel_loop3A_221 = tpu.vector_load %arg10[%parallel_loop3A_219, %parallel_loop3A_220] {strides = array<i32>} : memref<80x128xf32, #tpu.memory_space<vmem>>, vector<16xf32>,
        %parallel_loop3A_222 = arith.index_cast %parallel_loop3A_171 : i32 to index
        %parallel_loop3A_223 = arith.constant 96 : index
        %parallel_loop3A_224 = tpu.vector_load %arg11[%parallel_loop3A_222, %parallel_loop3A_223] {strides = array<i32>} : memref<80x128xf32, #tpu.memory_space<vmem>>, vector<16xf32>,
        %parallel_loop3A_225 = arith.mulf %parallel_loop3A_221, %parallel_loop3A_224 : vector<16xf32>
        %parallel_loop3A_226 = arith.addf %parallel_loop3A_218, %parallel_loop3A_225 : vector<16xf32>
        %parallel_loop3A_227 = arith.index_cast %parallel_loop3A_171 : i32 to index
        %parallel_loop3A_228 = arith.constant 112 : index
        %parallel_loop3A_229 = tpu.vector_load %arg10[%parallel_loop3A_227, %parallel_loop3A_228] {strides = array<i32>} : memref<80x128xf32, #tpu.memory_space<vmem>>, vector<16xf32>,
        %parallel_loop3A_230 = arith.index_cast %parallel_loop3A_171 : i32 to index
        %parallel_loop3A_231 = arith.constant 112 : index
        %parallel_loop3A_232 = tpu.vector_load %arg11[%parallel_loop3A_230, %parallel_loop3A_231] {strides = array<i32>} : memref<80x128xf32, #tpu.memory_space<vmem>>, vector<16xf32>,
        %parallel_loop3A_233 = arith.mulf %parallel_loop3A_229, %parallel_loop3A_232 : vector<16xf32>
        %parallel_loop3A_234 = arith.addf %parallel_loop3A_226, %parallel_loop3A_233 : vector<16xf32>
        %parallel_loop3A_235 = vector.broadcast %parallel_loop3A_170 : i32 to vector<16xi32>
        %parallel_loop3A_236 = arith.cmpi eq, %iota3A, %parallel_loop3A_235 : vector<16xi32>
        %parallel_loop3A_237 = arith.constant true
        %parallel_loop3A_238 = vector.broadcast %parallel_loop3A_237 : i1 to vector<16xi1>
        %parallel_loop3A_239 = tpu.scan <sum>, %parallel_loop3A_234 masked %parallel_loop3A_238 : vector<16xf32>, vector<16xi1> -> vector<16xf32>
        %parallel_loop3A_240 = vector.extract %parallel_loop3A_239[15] : f32 from vector<16xf32>
        %parallel_loop3A_241 = vector.broadcast %parallel_loop3A_240 : f32 to vector<16xf32>
        %parallel_loop3A_242 = arith.select %parallel_loop3A_236, %parallel_loop3A_241, %parallel_loop3A_168 : vector<16xi1>, vector<16xf32>
        %parallel_loop3A_243 = arith.constant 2 : i32
        %parallel_loop3A_244 = arith.addi %scan3A_95, %parallel_loop3A_243 : i32
        %parallel_loop3A_245 = arith.addi %parallel_loop3A_74, %parallel_loop3A_244 : i32
        %parallel_loop3A_246 = arith.index_cast %parallel_loop3A_245 : i32 to index
        %parallel_loop3A_247 = arith.constant 0 : index
        %parallel_loop3A_248 = tpu.vector_load %arg10[%parallel_loop3A_246, %parallel_loop3A_247] {strides = array<i32>} : memref<80x128xf32, #tpu.memory_space<vmem>>, vector<16xf32>,
        %parallel_loop3A_249 = arith.index_cast %parallel_loop3A_245 : i32 to index
        %parallel_loop3A_250 = arith.constant 0 : index
        %parallel_loop3A_251 = tpu.vector_load %arg11[%parallel_loop3A_249, %parallel_loop3A_250] {strides = array<i32>} : memref<80x128xf32, #tpu.memory_space<vmem>>, vector<16xf32>,
        %parallel_loop3A_252 = arith.mulf %parallel_loop3A_248, %parallel_loop3A_251 : vector<16xf32>
        %parallel_loop3A_253 = arith.index_cast %parallel_loop3A_245 : i32 to index
        %parallel_loop3A_254 = arith.constant 16 : index
        %parallel_loop3A_255 = tpu.vector_load %arg10[%parallel_loop3A_253, %parallel_loop3A_254] {strides = array<i32>} : memref<80x128xf32, #tpu.memory_space<vmem>>, vector<16xf32>,
        %parallel_loop3A_256 = arith.index_cast %parallel_loop3A_245 : i32 to index
        %parallel_loop3A_257 = arith.constant 16 : index
        %parallel_loop3A_258 = tpu.vector_load %arg11[%parallel_loop3A_256, %parallel_loop3A_257] {strides = array<i32>} : memref<80x128xf32, #tpu.memory_space<vmem>>, vector<16xf32>,
        %parallel_loop3A_259 = arith.mulf %parallel_loop3A_255, %parallel_loop3A_258 : vector<16xf32>
        %parallel_loop3A_260 = arith.addf %parallel_loop3A_252, %parallel_loop3A_259 : vector<16xf32>
        %parallel_loop3A_261 = arith.index_cast %parallel_loop3A_245 : i32 to index
        %parallel_loop3A_262 = arith.constant 32 : index
        %parallel_loop3A_263 = tpu.vector_load %arg10[%parallel_loop3A_261, %parallel_loop3A_262] {strides = array<i32>} : memref<80x128xf32, #tpu.memory_space<vmem>>, vector<16xf32>,
        %parallel_loop3A_264 = arith.index_cast %parallel_loop3A_245 : i32 to index
        %parallel_loop3A_265 = arith.constant 32 : index
        %parallel_loop3A_266 = tpu.vector_load %arg11[%parallel_loop3A_264, %parallel_loop3A_265] {strides = array<i32>} : memref<80x128xf32, #tpu.memory_space<vmem>>, vector<16xf32>,
        %parallel_loop3A_267 = arith.mulf %parallel_loop3A_263, %parallel_loop3A_266 : vector<16xf32>
        %parallel_loop3A_268 = arith.addf %parallel_loop3A_260, %parallel_loop3A_267 : vector<16xf32>
        %parallel_loop3A_269 = arith.index_cast %parallel_loop3A_245 : i32 to index
        %parallel_loop3A_270 = arith.constant 48 : index
        %parallel_loop3A_271 = tpu.vector_load %arg10[%parallel_loop3A_269, %parallel_loop3A_270] {strides = array<i32>} : memref<80x128xf32, #tpu.memory_space<vmem>>, vector<16xf32>,
        %parallel_loop3A_272 = arith.index_cast %parallel_loop3A_245 : i32 to index
        %parallel_loop3A_273 = arith.constant 48 : index
        %parallel_loop3A_274 = tpu.vector_load %arg11[%parallel_loop3A_272, %parallel_loop3A_273] {strides = array<i32>} : memref<80x128xf32, #tpu.memory_space<vmem>>, vector<16xf32>,
        %parallel_loop3A_275 = arith.mulf %parallel_loop3A_271, %parallel_loop3A_274 : vector<16xf32>
        %parallel_loop3A_276 = arith.addf %parallel_loop3A_268, %parallel_loop3A_275 : vector<16xf32>
        %parallel_loop3A_277 = arith.index_cast %parallel_loop3A_245 : i32 to index
        %parallel_loop3A_278 = arith.constant 64 : index
        %parallel_loop3A_279 = tpu.vector_load %arg10[%parallel_loop3A_277, %parallel_loop3A_278] {strides = array<i32>} : memref<80x128xf32, #tpu.memory_space<vmem>>, vector<16xf32>,
        %parallel_loop3A_280 = arith.index_cast %parallel_loop3A_245 : i32 to index
        %parallel_loop3A_281 = arith.constant 64 : index
        %parallel_loop3A_282 = tpu.vector_load %arg11[%parallel_loop3A_280, %parallel_loop3A_281] {strides = array<i32>} : memref<80x128xf32, #tpu.memory_space<vmem>>, vector<16xf32>,
        %parallel_loop3A_283 = arith.mulf %parallel_loop3A_279, %parallel_loop3A_282 : vector<16xf32>
        %parallel_loop3A_284 = arith.addf %parallel_loop3A_276, %parallel_loop3A_283 : vector<16xf32>
        %parallel_loop3A_285 = arith.index_cast %parallel_loop3A_245 : i32 to index
        %parallel_loop3A_286 = arith.constant 80 : index
        %parallel_loop3A_287 = tpu.vector_load %arg10[%parallel_loop3A_285, %parallel_loop3A_286] {strides = array<i32>} : memref<80x128xf32, #tpu.memory_space<vmem>>, vector<16xf32>,
        %parallel_loop3A_288 = arith.index_cast %parallel_loop3A_245 : i32 to index
        %parallel_loop3A_289 = arith.constant 80 : index
        %parallel_loop3A_290 = tpu.vector_load %arg11[%parallel_loop3A_288, %parallel_loop3A_289] {strides = array<i32>} : memref<80x128xf32, #tpu.memory_space<vmem>>, vector<16xf32>,
        %parallel_loop3A_291 = arith.mulf %parallel_loop3A_287, %parallel_loop3A_290 : vector<16xf32>
        %parallel_loop3A_292 = arith.addf %parallel_loop3A_284, %parallel_loop3A_291 : vector<16xf32>
        %parallel_loop3A_293 = arith.index_cast %parallel_loop3A_245 : i32 to index
        %parallel_loop3A_294 = arith.constant 96 : index
        %parallel_loop3A_295 = tpu.vector_load %arg10[%parallel_loop3A_293, %parallel_loop3A_294] {strides = array<i32>} : memref<80x128xf32, #tpu.memory_space<vmem>>, vector<16xf32>,
        %parallel_loop3A_296 = arith.index_cast %parallel_loop3A_245 : i32 to index
        %parallel_loop3A_297 = arith.constant 96 : index
        %parallel_loop3A_298 = tpu.vector_load %arg11[%parallel_loop3A_296, %parallel_loop3A_297] {strides = array<i32>} : memref<80x128xf32, #tpu.memory_space<vmem>>, vector<16xf32>,
        %parallel_loop3A_299 = arith.mulf %parallel_loop3A_295, %parallel_loop3A_298 : vector<16xf32>
        %parallel_loop3A_300 = arith.addf %parallel_loop3A_292, %parallel_loop3A_299 : vector<16xf32>
        %parallel_loop3A_301 = arith.index_cast %parallel_loop3A_245 : i32 to index
        %parallel_loop3A_302 = arith.constant 112 : index
        %parallel_loop3A_303 = tpu.vector_load %arg10[%parallel_loop3A_301, %parallel_loop3A_302] {strides = array<i32>} : memref<80x128xf32, #tpu.memory_space<vmem>>, vector<16xf32>,
        %parallel_loop3A_304 = arith.index_cast %parallel_loop3A_245 : i32 to index
        %parallel_loop3A_305 = arith.constant 112 : index
        %parallel_loop3A_306 = tpu.vector_load %arg11[%parallel_loop3A_304, %parallel_loop3A_305] {strides = array<i32>} : memref<80x128xf32, #tpu.memory_space<vmem>>, vector<16xf32>,
        %parallel_loop3A_307 = arith.mulf %parallel_loop3A_303, %parallel_loop3A_306 : vector<16xf32>
        %parallel_loop3A_308 = arith.addf %parallel_loop3A_300, %parallel_loop3A_307 : vector<16xf32>
        %parallel_loop3A_309 = vector.broadcast %parallel_loop3A_244 : i32 to vector<16xi32>
        %parallel_loop3A_310 = arith.cmpi eq, %iota3A, %parallel_loop3A_309 : vector<16xi32>
        %parallel_loop3A_311 = arith.constant true
        %parallel_loop3A_312 = vector.broadcast %parallel_loop3A_311 : i1 to vector<16xi1>
        %parallel_loop3A_313 = tpu.scan <sum>, %parallel_loop3A_308 masked %parallel_loop3A_312 : vector<16xf32>, vector<16xi1> -> vector<16xf32>
        %parallel_loop3A_314 = vector.extract %parallel_loop3A_313[15] : f32 from vector<16xf32>
        %parallel_loop3A_315 = vector.broadcast %parallel_loop3A_314 : f32 to vector<16xf32>
        %parallel_loop3A_316 = arith.select %parallel_loop3A_310, %parallel_loop3A_315, %parallel_loop3A_242 : vector<16xi1>, vector<16xf32>
        %parallel_loop3A_317 = arith.constant 3 : i32
        %parallel_loop3A_318 = arith.addi %scan3A_95, %parallel_loop3A_317 : i32
        %parallel_loop3A_319 = arith.addi %parallel_loop3A_74, %parallel_loop3A_318 : i32
        %parallel_loop3A_320 = arith.index_cast %parallel_loop3A_319 : i32 to index
        %parallel_loop3A_321 = arith.constant 0 : index
        %parallel_loop3A_322 = tpu.vector_load %arg10[%parallel_loop3A_320, %parallel_loop3A_321] {strides = array<i32>} : memref<80x128xf32, #tpu.memory_space<vmem>>, vector<16xf32>,
        %parallel_loop3A_323 = arith.index_cast %parallel_loop3A_319 : i32 to index
        %parallel_loop3A_324 = arith.constant 0 : index
        %parallel_loop3A_325 = tpu.vector_load %arg11[%parallel_loop3A_323, %parallel_loop3A_324] {strides = array<i32>} : memref<80x128xf32, #tpu.memory_space<vmem>>, vector<16xf32>,
        %parallel_loop3A_326 = arith.mulf %parallel_loop3A_322, %parallel_loop3A_325 : vector<16xf32>
        %parallel_loop3A_327 = arith.index_cast %parallel_loop3A_319 : i32 to index
        %parallel_loop3A_328 = arith.constant 16 : index
        %parallel_loop3A_329 = tpu.vector_load %arg10[%parallel_loop3A_327, %parallel_loop3A_328] {strides = array<i32>} : memref<80x128xf32, #tpu.memory_space<vmem>>, vector<16xf32>,
        %parallel_loop3A_330 = arith.index_cast %parallel_loop3A_319 : i32 to index
        %parallel_loop3A_331 = arith.constant 16 : index
        %parallel_loop3A_332 = tpu.vector_load %arg11[%parallel_loop3A_330, %parallel_loop3A_331] {strides = array<i32>} : memref<80x128xf32, #tpu.memory_space<vmem>>, vector<16xf32>,
        %parallel_loop3A_333 = arith.mulf %parallel_loop3A_329, %parallel_loop3A_332 : vector<16xf32>
        %parallel_loop3A_334 = arith.addf %parallel_loop3A_326, %parallel_loop3A_333 : vector<16xf32>
        %parallel_loop3A_335 = arith.index_cast %parallel_loop3A_319 : i32 to index
        %parallel_loop3A_336 = arith.constant 32 : index
        %parallel_loop3A_337 = tpu.vector_load %arg10[%parallel_loop3A_335, %parallel_loop3A_336] {strides = array<i32>} : memref<80x128xf32, #tpu.memory_space<vmem>>, vector<16xf32>,
        %parallel_loop3A_338 = arith.index_cast %parallel_loop3A_319 : i32 to index
        %parallel_loop3A_339 = arith.constant 32 : index
        %parallel_loop3A_340 = tpu.vector_load %arg11[%parallel_loop3A_338, %parallel_loop3A_339] {strides = array<i32>} : memref<80x128xf32, #tpu.memory_space<vmem>>, vector<16xf32>,
        %parallel_loop3A_341 = arith.mulf %parallel_loop3A_337, %parallel_loop3A_340 : vector<16xf32>
        %parallel_loop3A_342 = arith.addf %parallel_loop3A_334, %parallel_loop3A_341 : vector<16xf32>
        %parallel_loop3A_343 = arith.index_cast %parallel_loop3A_319 : i32 to index
        %parallel_loop3A_344 = arith.constant 48 : index
        %parallel_loop3A_345 = tpu.vector_load %arg10[%parallel_loop3A_343, %parallel_loop3A_344] {strides = array<i32>} : memref<80x128xf32, #tpu.memory_space<vmem>>, vector<16xf32>,
        %parallel_loop3A_346 = arith.index_cast %parallel_loop3A_319 : i32 to index
        %parallel_loop3A_347 = arith.constant 48 : index
        %parallel_loop3A_348 = tpu.vector_load %arg11[%parallel_loop3A_346, %parallel_loop3A_347] {strides = array<i32>} : memref<80x128xf32, #tpu.memory_space<vmem>>, vector<16xf32>,
        %parallel_loop3A_349 = arith.mulf %parallel_loop3A_345, %parallel_loop3A_348 : vector<16xf32>
        %parallel_loop3A_350 = arith.addf %parallel_loop3A_342, %parallel_loop3A_349 : vector<16xf32>
        %parallel_loop3A_351 = arith.index_cast %parallel_loop3A_319 : i32 to index
        %parallel_loop3A_352 = arith.constant 64 : index
        %parallel_loop3A_353 = tpu.vector_load %arg10[%parallel_loop3A_351, %parallel_loop3A_352] {strides = array<i32>} : memref<80x128xf32, #tpu.memory_space<vmem>>, vector<16xf32>,
        %parallel_loop3A_354 = arith.index_cast %parallel_loop3A_319 : i32 to index
        %parallel_loop3A_355 = arith.constant 64 : index
        %parallel_loop3A_356 = tpu.vector_load %arg11[%parallel_loop3A_354, %parallel_loop3A_355] {strides = array<i32>} : memref<80x128xf32, #tpu.memory_space<vmem>>, vector<16xf32>,
        %parallel_loop3A_357 = arith.mulf %parallel_loop3A_353, %parallel_loop3A_356 : vector<16xf32>
        %parallel_loop3A_358 = arith.addf %parallel_loop3A_350, %parallel_loop3A_357 : vector<16xf32>
        %parallel_loop3A_359 = arith.index_cast %parallel_loop3A_319 : i32 to index
        %parallel_loop3A_360 = arith.constant 80 : index
        %parallel_loop3A_361 = tpu.vector_load %arg10[%parallel_loop3A_359, %parallel_loop3A_360] {strides = array<i32>} : memref<80x128xf32, #tpu.memory_space<vmem>>, vector<16xf32>,
        %parallel_loop3A_362 = arith.index_cast %parallel_loop3A_319 : i32 to index
        %parallel_loop3A_363 = arith.constant 80 : index
        %parallel_loop3A_364 = tpu.vector_load %arg11[%parallel_loop3A_362, %parallel_loop3A_363] {strides = array<i32>} : memref<80x128xf32, #tpu.memory_space<vmem>>, vector<16xf32>,
        %parallel_loop3A_365 = arith.mulf %parallel_loop3A_361, %parallel_loop3A_364 : vector<16xf32>
        %parallel_loop3A_366 = arith.addf %parallel_loop3A_358, %parallel_loop3A_365 : vector<16xf32>
        %parallel_loop3A_367 = arith.index_cast %parallel_loop3A_319 : i32 to index
        %parallel_loop3A_368 = arith.constant 96 : index
        %parallel_loop3A_369 = tpu.vector_load %arg10[%parallel_loop3A_367, %parallel_loop3A_368] {strides = array<i32>} : memref<80x128xf32, #tpu.memory_space<vmem>>, vector<16xf32>,
        %parallel_loop3A_370 = arith.index_cast %parallel_loop3A_319 : i32 to index
        %parallel_loop3A_371 = arith.constant 96 : index
        %parallel_loop3A_372 = tpu.vector_load %arg11[%parallel_loop3A_370, %parallel_loop3A_371] {strides = array<i32>} : memref<80x128xf32, #tpu.memory_space<vmem>>, vector<16xf32>,
        %parallel_loop3A_373 = arith.mulf %parallel_loop3A_369, %parallel_loop3A_372 : vector<16xf32>
        %parallel_loop3A_374 = arith.addf %parallel_loop3A_366, %parallel_loop3A_373 : vector<16xf32>
        %parallel_loop3A_375 = arith.index_cast %parallel_loop3A_319 : i32 to index
        %parallel_loop3A_376 = arith.constant 112 : index
        %parallel_loop3A_377 = tpu.vector_load %arg10[%parallel_loop3A_375, %parallel_loop3A_376] {strides = array<i32>} : memref<80x128xf32, #tpu.memory_space<vmem>>, vector<16xf32>,
        %parallel_loop3A_378 = arith.index_cast %parallel_loop3A_319 : i32 to index
        %parallel_loop3A_379 = arith.constant 112 : index
        %parallel_loop3A_380 = tpu.vector_load %arg11[%parallel_loop3A_378, %parallel_loop3A_379] {strides = array<i32>} : memref<80x128xf32, #tpu.memory_space<vmem>>, vector<16xf32>,
        %parallel_loop3A_381 = arith.mulf %parallel_loop3A_377, %parallel_loop3A_380 : vector<16xf32>
        %parallel_loop3A_382 = arith.addf %parallel_loop3A_374, %parallel_loop3A_381 : vector<16xf32>
        %parallel_loop3A_383 = vector.broadcast %parallel_loop3A_318 : i32 to vector<16xi32>
        %parallel_loop3A_384 = arith.cmpi eq, %iota3A, %parallel_loop3A_383 : vector<16xi32>
        %parallel_loop3A_385 = arith.constant true
        %parallel_loop3A_386 = vector.broadcast %parallel_loop3A_385 : i1 to vector<16xi1>
        %parallel_loop3A_387 = tpu.scan <sum>, %parallel_loop3A_382 masked %parallel_loop3A_386 : vector<16xf32>, vector<16xi1> -> vector<16xf32>
        %parallel_loop3A_388 = vector.extract %parallel_loop3A_387[15] : f32 from vector<16xf32>
        %parallel_loop3A_389 = vector.broadcast %parallel_loop3A_388 : f32 to vector<16xf32>
        %parallel_loop3A_390 = arith.select %parallel_loop3A_384, %parallel_loop3A_389, %parallel_loop3A_316 : vector<16xi1>, vector<16xf32>
        scf.yield %parallel_loop3A_390 : vector<16xf32>
      }
      %parallel_loop3A_82 = arith.constant 16 : i32
      %parallel_loop3A_83 = arith.constant 0.000000e+00 : f32
      %parallel_loop3A_84 = vector.broadcast %parallel_loop3A_83 : f32 to vector<16xf32>
      %parallel_loop3A_85 = arith.subf %parallel_loop3A_84, %parallel_loop3A_81 : vector<16xf32>
      %parallel_loop3A_86 = math.exp %parallel_loop3A_85 : vector<16xf32>
      %parallel_loop3A_87 = arith.constant 1.000000e+00 : f32
      %parallel_loop3A_88 = vector.broadcast %parallel_loop3A_87 : f32 to vector<16xf32>
      %parallel_loop3A_89 = arith.addf %parallel_loop3A_88, %parallel_loop3A_86 : vector<16xf32>
      %parallel_loop3A_90 = arith.constant 1.000000e+00 : f32
      %parallel_loop3A_91 = vector.broadcast %parallel_loop3A_90 : f32 to vector<16xf32>
      %parallel_loop3A_92 = arith.divf %parallel_loop3A_91, %parallel_loop3A_89 : vector<16xf32>
      %parallel_loop3A_93 = arith.index_cast %parallel_loop3A_74 : i32 to index
      %parallel_loop3A_94 = tpu.vector_load %arg14[%parallel_loop3A_93] {strides = array<i32>} : memref<80xf32, #tpu.memory_space<vmem>>, vector<16xf32>,
      tpu.vector_store %arg14[%parallel_loop3A_93], %parallel_loop3A_92 {strides = array<i32>} : memref<80xf32, #tpu.memory_space<vmem>>, vector<16xf32>,
    } {sc.loop_unroll_factor = 1 : i64, sc.parallel_access}
    %add3A_60 = arith.constant 9920 : i32
    %add3A_61 = arith.addi %mul3A_2, %add3A_60 : i32
    %dma_start3A_62 = tpu.memref_slice %arg4[%add3A_61] : memref<320000xf32, #tpu.memory_space<hbm>> -> memref<80xf32, #tpu.memory_space<hbm>>
    %dma_start3A_63 = tpu.memref_slice %arg4[%add3A_61] : memref<320000xf32, #tpu.memory_space<hbm>> -> memref<80xf32, #tpu.memory_space<hbm>>
    tpu.enqueue_dma source(%arg14 : memref<80xf32, #tpu.memory_space<vmem>>) target(%dma_start3A_63 : memref<80xf32, #tpu.memory_space<hbm>>) target_semaphore(%arg20 : memref<!tpu.dma_semaphore, #tpu.memory_space<semaphore_mem>>)
    %dma_wait3A_64 = arith.constant 0 : i32
    %dma_wait3A_65 = tpu.memref_slice %arg4[%dma_wait3A_64] : memref<320000xf32, #tpu.memory_space<hbm>> -> memref<80xf32, #tpu.memory_space<hbm>>
    %dma_wait3A_66 = arith.constant 0 : i32
    %dma_wait3A_67 = tpu.memref_slice %arg4[%dma_wait3A_66] : memref<320000xf32, #tpu.memory_space<hbm>> -> memref<80xf32, #tpu.memory_space<hbm>>
    tpu.wait_dma2 semaphore(%arg21 : memref<!tpu.dma_semaphore, #tpu.memory_space<semaphore_mem>>) src(%arg15 : memref<80xf32, #tpu.memory_space<vmem>>) dst(%dma_wait3A_67 : memref<80xf32, #tpu.memory_space<hbm>>)
    %dma_wait3A_68 = arith.constant 0 : i32
    %dma_wait3A_69 = tpu.memref_slice %arg4[%dma_wait3A_68] : memref<320000xf32, #tpu.memory_space<hbm>> -> memref<80xf32, #tpu.memory_space<hbm>>
    %dma_wait3A_70 = arith.constant 0 : i32
    %dma_wait3A_71 = tpu.memref_slice %arg4[%dma_wait3A_70] : memref<320000xf32, #tpu.memory_space<hbm>> -> memref<80xf32, #tpu.memory_space<hbm>>
    tpu.wait_dma2 semaphore(%arg20 : memref<!tpu.dma_semaphore, #tpu.memory_space<semaphore_mem>>) src(%arg14 : memref<80xf32, #tpu.memory_space<vmem>>) dst(%dma_wait3A_71 : memref<80xf32, #tpu.memory_space<hbm>>)
    return
  }
}

</mosaic_0001>

<sc_bundles>
// kernel: _gae_decode.3.cloned.1.call-start
scs
__scs_entry_jumppad:
0x0: {  	(pc) =	sbr.rel $0x88, $3  }
0x1: {  	(tag) =	ssettag $0x0;
	lr =	simm.s32 $0x1  }
0x2: {  	[smem:$0x3F9F] =	sst lr;
	_ =	strace $0xD0000000  }
0x3: {  	_ = 	snop  }
0x4: {  	_ = 	snop  }
0x5: {  	_ = 	snop  }
0x6: {  	_ = 	snop  }
0x7: {  	_ = 	snop  }
__scs_overlays_trampoline_lowered:
0x8: {  	[smem:$0x3FAE] =	sst s0  }
0x9: {  	[smem:$0x3FAF] =	sst s1  }
0xa: {  	[smem:$0x3FB0] =	sst s2  }
0xb: {  	[smem:$0x3FB1] =	sst s3  }
0xc: {  	[smem:$0x3FB2] =	sst s4  }
0xd: {  	[smem:$0x3FB3] =	sst s5  }
0xe: {  	[smem:$0x3FB4] =	sst s6  }
0xf: {  	[smem:$0x3FB5] =	sst s7  }
0x10: {  	[smem:$0x3FB6] =	sst s8  }
0x11: {  	[smem:$0x3FB7] =	sst s9;
	s0 =	simm.s32 @!p0 $0x0  }
0x12: {  	s1 =	sld [smem:$0x3F9D];
	s0 =	simm.s32 @p0 $0x1  }
0x13: {  	[smem:$0x3FB8] =	sst s0;
	s0 =	simm.s32 @!p1 $0x0  }
0x14: {  	s2 =	sld [smem:$0x3F9C];
	s0 =	simm.s32 @p1 $0x1  }
0x15: {  	[smem:$0x3FB9] =	sst s0;
	s0 =	simm.s32 @!p2 $0x0  }
0x16: {  	s3 =	sld [smem:$0x3FDB];
	s0 =	simm.s32 @p2 $0x1  }
0x17: {  	s4 =	simm.s32 $0x1BF5;
	[smem:$0x3FBB] =	sst s0  }
0x18: {  	s0 =	sld [smem:$0x3F9E];
	_ =	swait.ge [sflag:s4], $0x0  }
0x19: {  	s7 =	sld [smem:$0x3F9F]  }
0x1a: {  	s8 =	sadd.s32 $0xFFFFE003, lr  }
0x1b: {  	s9 =	sadd.s32 $0xFFFFFEF7, lr;
	s5 =	simm.s32 $0xFFFFFFFF;
	p2 =	slt.u32 s8, $0xFFFFF086  }
0x1c: {  	p1 =	slt.u32 s9, $0xF7A;
	s5 =	simm.s32 @!p2 $0x0  }
0x1d: {  	s5 =	simm.s32 @p1 $0x1;
	p0 =	seq.s32 s7, s2  }
0x1e: {  	s7 =	smul.u32 @!p0 $0xF7A, s2;
	p2 =	seq.s32 @!p0 s5, $0x0  }
0x1f: {  	s9 =	smul.u32 $0xF7A, s1;
	s8 =	simm.s32 @!p0 $0x1BF5;
	p2 =	por !p2, p0  }
0x20: {  	[sflag:s8] =	ssyncset.s32 @!p0 $0xFFFFF086;
	s6 =	sadd.s32 @!p0 s3, s7;
	s7 =	simm.s32 @!p0 $0x108  }
0x21: {  	s3 =	sadd.s32 s3, s9;
	s6 =	sadd.s32 @!p0 $0x88, s6;
	s7 =	simm.s32 @p2 $0x1082  }
0x22: {  	[simem:s7], [sflag:s8] =	dma.local @!p0 [hbm:s6], $0xF7A  }
0x23: {  	s9 =	sor.u32 $0xD0000000, s2;
	s6 =	simm.s32 $0x108;
	_ =	swait.ge @!p0 [sflag:s8], $0x0  }
0x24: {  	s3 =	sadd.s32 $0x88, s3;
	s6 =	simm.s32 @!p1 $0x1082;
	[sflag:s4] =	ssyncset.s32 $0xFFFFF086  }
0x25: {  	[simem:s6], [sflag:s4] =	dma.local [hbm:s3], $0xF7A  }
0x26: {  	[smem:$0x3F9F] =	sst s1;
	(tag) =	ssettag s2;
	_ =	strace s9  }
0x27: {  	s1 =	sld [smem:$0x3FAF]  }
0x28: {  	s2 =	sld [smem:$0x3FB0]  }
0x29: {  	s4 =	sld [smem:$0x3FB2]  }
0x2a: {  	p0 =	seq.s32 s5, $0x0;
	s5 =	sld [smem:$0x3FB3]  }
0x2b: {  	s6 =	sld [smem:$0x3FB4]  }
0x2c: {  	s7 =	sld [smem:$0x3FB5]  }
0x2d: {  	s3 =	simm.s32 $0x108;
	s8 =	sld [smem:$0x3FB6]  }
0x2e: {  	s3 =	simm.s32 @!p0 $0x1082;
	s9 =	sld [smem:$0x3FB7]  }
0x2f: {  	lr =	sadd.s32 s0, s3;
	s0 =	sld [smem:$0x3FAE]  }
0x30: {  	s3 =	sld [smem:$0x3FB1]  }
0x31: {  	[smem:$0x3FBA] =	sst s10  }
0x32: {  	s10 =	sld [smem:$0x3FB8];
	_ =	sdelay $0x3  }
0x33: {  	p0 =	seq.s32 s10, $0x1;
	s10 =	sld [smem:$0x3FBA];
	_ =	sdelay $0x3  }
0x34: {  	[smem:$0x3FBA] =	sst s10  }
0x35: {  	s10 =	sld [smem:$0x3FB9];
	_ =	sdelay $0x3  }
0x36: {  	p1 =	seq.s32 s10, $0x1;
	s10 =	sld [smem:$0x3FBA];
	_ =	sdelay $0x3  }
0x37: {  	[smem:$0x3FBA] =	sst s10  }
0x38: {  	s10 =	sld [smem:$0x3FBB]  }
0x39: {  	_ = 	snop;
	(pc) =	sbr.ind lr, $3  }
0x3a: {  	_ = 	snop  }
0x3b: {  	_ = 	snop  }
0x3c: {  	p2 =	seq.s32 s10, $0x1;
	s10 =	sld [smem:$0x3FBA]  }
0x3d: {  	_ =	shalt  }
0x3e: {  	_ =	shalt  }
0x3f: {  	_ =	shalt  }
0x40: {  	_ =	shalt  }
0x41: {  	_ =	shalt  }
0x42: {  	_ =	shalt  }
0x43: {  	_ =	shalt  }
0x44: {  	_ =	shalt  }
0x45: {  	_ =	shalt  }
0x46: {  	_ =	shalt  }
0x47: {  	_ =	shalt  }
0x48: {  	_ =	shalt  }
0x49: {  	_ =	shalt  }
0x4a: {  	_ =	shalt  }
0x4b: {  	_ =	shalt  }
0x4c: {  	_ =	shalt  }
0x4d: {  	_ =	shalt  }
0x4e: {  	_ =	shalt  }
0x4f: {  	_ =	shalt  }
0x50: {  	_ =	shalt  }
0x51: {  	_ =	shalt  }
0x52: {  	_ =	shalt  }
0x53: {  	_ =	shalt  }
0x54: {  	_ =	shalt  }
0x55: {  	_ =	shalt  }
0x56: {  	_ =	shalt  }
0x57: {  	_ =	shalt  }
0x58: {  	_ =	shalt  }
0x59: {  	_ =	shalt  }
0x5a: {  	_ =	shalt  }
0x5b: {  	_ =	shalt  }
0x5c: {  	_ =	shalt  }
0x5d: {  	_ =	shalt  }
0x5e: {  	_ =	shalt  }
0x5f: {  	_ =	shalt  }
0x60: {  	_ =	shalt  }
0x61: {  	_ =	shalt  }
0x62: {  	_ =	shalt  }
0x63: {  	_ =	shalt  }
0x64: {  	_ =	shalt  }
0x65: {  	_ =	shalt  }
0x66: {  	_ =	shalt  }
0x67: {  	_ =	shalt  }
0x68: {  	_ =	shalt  }
0x69: {  	_ =	shalt  }
0x6a: {  	_ =	shalt  }
0x6b: {  	_ =	shalt  }
0x6c: {  	_ =	shalt  }
0x6d: {  	_ =	shalt  }
0x6e: {  	_ =	shalt  }
0x6f: {  	_ =	shalt  }
0x70: {  	_ =	shalt  }
0x71: {  	_ =	shalt  }
0x72: {  	_ =	shalt  }
0x73: {  	_ =	shalt  }
0x74: {  	_ =	shalt  }
0x75: {  	_ =	shalt  }
0x76: {  	_ =	shalt  }
0x77: {  	_ =	shalt  }
0x78: {  	_ =	shalt  }
0x79: {  	_ =	shalt  }
0x7a: {  	_ =	shalt  }
0x7b: {  	_ =	shalt  }
0x7c: {  	_ =	shalt  }
0x7d: {  	_ =	shalt  }
0x7e: {  	_ =	shalt  }
0x7f: {  	_ =	shalt  }
0x80: {  	_ =	shalt  }
0x81: {  	_ =	shalt  }
0x82: {  	_ =	shalt  }
0x83: {  	_ =	shalt  }
0x84: {  	_ =	shalt  }
0x85: {  	_ =	shalt  }
0x86: {  	_ =	shalt  }
0x87: {  	_ =	shalt  }
.Lfunc_end0:
.L_simem_size_0:
called_computation_lowered:
.L_overlay_start_0:
0x88: {  	s2 =	sld [smem:$0x3FD9]  }
0x89: {  	s3 =	sld [smem:$0x3FFE];
	_ =	sdelay $0x1  }
0x8a: {  	s1 =	srdreg.scid  }
0x8b: {  	s0 =	sand.u32 $0x1, s1  }
0x8c: {  	s18 =	sshll.u32 s0, $0xA;
	s2 =	sadd.s32 s3, s2  }
0x8d: {  	s2 =	sadd.s32 s2, s18  }
0x8e: {  	[smem:$0x3FC6] =	sst s2  }
0x8f: {  	_ = 	snop  }
0x90: {  	s2 =	sld [smem:$0x3FC9]  }
0x91: {  	s19 =	sld [smem:$0x3FC8]  }
0x92: {  	s4 =	sld [smem:$0x3FD0];
	(tm) =	ssettm $0x1  }
0x93: {  	s5 =	sld [smem:$0x3FFB];
	_ =	sdelay $0x3  }
0x94: {  	_ =	strace s5  }
0x95: {  	s5 =	sld [smem:$0x3FFC];
	_ =	sdelay $0x3  }
0x96: {  	_ =	strace s5  }
0x97: {  	s5 =	sld [smem:$0x3FFD];
	_ =	sdelay $0x3  }
0x98: {  	_ =	strace s5  }
0x99: {  	_ =	strace $0x8FFFFFFF  }
0x9a: {  	s20 =	sld [smem:$0x3FDB];
	_ =	sdelay $0x1  }
0x9b: {  	s6 =	simm.s32 $_scs_section_size  }
0x9c: {  	s7 =	simm.s32 $_size__tile_overlayer_lowered;
	s8 =	simm.s32 $_tile_overlayer_lowered  }
0x9d: {  	s23 =	simm.s32 $0x1BFF;
	s22 =	sshll.u32 s8, $0x1;
	s5 =	sadd.s32 s6, s20  }
0x9e: {  	s9 =	simm.s32 $0x0;
	s21 =	sshll.u32 s7, $0x1;
	s7 =	sadd.s32 s22, s5  }
0x9f: {  	[timem:s9], [sflag:s23] =	dma.local [hbm:s7], s21  }
0xa0: {  	_ =	swait.ge [sflag:s23], s21  }
0xa1: {  	s6 =	ssub.s32 $0x0, s21;
	[sflag:s23] =	ssyncset.done $0x0  }
0xa2: {  	[sflag:s23] =	ssyncadd.s32 s6;
	_ =	sdelay $0x1  }
0xa3: {  	s24 =	simm.s32 $0x1B8B  }
0xa4: {  	_ =	swait.ge [sflag:s24], $0x1  }
0xa5: {  	[sflag:s24] =	ssyncset.done $0x0  }
0xa6: {  	s25 =	simm.s32 $0x1B8E;
	[sflag:s24] =	ssyncadd.s32 $0xFFFFFFFF  }
0xa7: {  	s26 =	simm.s32 $execute0_lowered;
	[smem:$0x3FD2] =	sst s25  }
0xa8: {  	s6 =	sshll.u32 s26, $0x1;
	_ =	strace $0x80000046;
	[dreg:$0x1] =	wrdreg $0xFFFFFFFF  }
0xa9: {  	s28 =	simm.s32 $_size_execute0_lowered;
	s5 =	sadd.s32 s5, s6;
	[dreg:$0x0] =	wrdreg $0x0  }
0xaa: {  	s6 =	sshll.u32 s28, $0x1;
	[dreg:$0x2] =	wrdreg s5  }
0xab: {  	[dreg:$0x3] =	wrdreg s6  }
0xac: {  	[dreg:$0x4] =	wrdreg $0xC0  }
0xad: {  	_ =	task [dreg:s9], $0x5FFFF  }
0xae: {  	[dreg:$0x1] =	wrdreg $0xFFFFFFFF  }
0xaf: {  	[dreg:$0x0] =	wrdreg $0x60  }
0xb0: {  	[dreg:$0x2] =	wrdreg s2  }
0xb1: {  	[dreg:$0x3] =	wrdreg s19  }
0xb2: {  	[dreg:$0x4] =	wrdreg s4  }
0xb3: {  	[dreg:$0x5] =	wrdreg $0x0  }
0xb4: {  	[dreg:$0x6] =	wrdreg $0x9  }
0xb5: {  	_ =	task.clear_ibuf [dreg:s9], $0x7FFFF;
	_ =	strace $0x90000046  }
0xb6: {  	s29 =	simm.s32 $0x9;
	_ =	strace $0x80000048  }
0xb7: {  	_ =	swait.ge [sflag:s29], $0x1  }
0xb8: {  	[sflag:s29] =	ssyncadd.s32 $0xFFFFFFFF  }
0xb9: {  	_ =	strace $0x90000048  }
0xba: {  	_ =	sfence  }
0xbb: {  	s30 =	sld [smem:$0x0];
	_ =	sdelay $0x2  }
0xbc: {  	s31 =	sshll.u32 s1, $0xD;
	s1 =	sshrl.u32 s1, $0x2  }
0xbd: {  	s3 =	sand.u32 $0x4000, s31;
	s1 =	sadd.s32 s1, s30  }
0xbe: {  	s0 =	sor.u32 s3, s0;
	s1 =	sshll.u32 s1, $0x11  }
0xbf: {  	s0 =	sor.u32 s1, s0  }
0xc0: {  	s0 =	sadd.s32 $0x8F2B, s0  }
0xc1: {  	[sflag:s0] =	ssyncadd.remote.s32 $0x1  }
0xc2: {  	_ =	sfence.sel $0xFFFF  }
0xc3: {  	[dreg:$0x0] =	wrdreg $0xFFFFFFFF;
	(pc) =	sbr.abs _section_cstart, $3  }
0xc4: {  	[dreg:$0x1] =	wrdreg $0xFFFFFFFF  }
0xc5: {  	_ =	task.clear_ibuf [dreg:s9], $0x2FFFF;
	_ =	strace $0x9FFFFFFF  }
0xc6: {  	(tm) =	ssettm $0x7FFFFFFF  }
0xc7: {  	_ =	shalt  }
tec
execute0_lowered:
.L_overlay_start_1:
0x0: {  	(tag) =	ssettag $0x1  }
0x1: {  	s0 =	rddreg [dreg:$0x0]  }
0x2: {  	s1 =	rddreg [dreg:$0x1];
	s2 =	srdreg.scid  }
0x3: {  	s11 =	stileid.u32;
	s3 =	rddreg [dreg:$0x2]  }
0x4: {  	s4 =	rddreg [dreg:$0x3];
	s6 =	simm.s32 $0x0;
	s28 =	simm.s32 $0x13A80  }
0x5: {  	s29 =	simm.s32 $0x16280;
	s30 =	simm.s32 $0x3;
	s31 =	simm.s32 $0x2  }
0x6: {  	s2 =	sand.u32 $0x1, s2;
	s5 =	sshll.u32 s11, $0x1;
	s7 =	smul.u32 $0x4F000, s11  }
0x7: {  	[smem:$0x7FF] =	sst s6;
	s9 =	smul.u32 $0x2780, s11;
	s10 =	sadd.s32 $0x128400, s4  }
0x8: {  	p0 =	seq.s32 s11, $0xF;
	s5 =	sor.u32 s2, s5;
	s2 =	ssub.s32 $0x2, s2  }
0x9: {  	_ =	strace $0x80000047;
	s5 =	smul.u32 $0x2710, s5;
	s8 =	sshrl.u32 s2, $0x1  }
0xa: {  	s7 =	sshrl.u32 s7, $0x2;
	s20 =	sadd.s32 s0, s9;
	s0 =	sadd.s32 $0x25080, s0  }
0xb: {  	s2 =	ssub.s32 s2, s8;
	s7 =	sadd.s32 s7, s4;
	[dreg:$0x5] =	wrdreg s20  }
0xc: {  	[dreg:$0x7] =	wrdreg s0;
	s21 =	sshrl.u32 s5, $0x3;
	s9 =	sadd.s32 $0x50, s5  }
0xd: {  	s14 =	sadd.s32 $0xA0, s5;
	s15 =	sadd.s32 $0xF0, s5;
	s26 =	smax.u32 s2, $0x1  }
0xe: {  	s2 =	sshrl.u32 @p0 s10, $0x3;
	s10 =	simm.s32 $0x4;
	[dreg:$0xc] =	wrdreg s26  }
0xf: {  	s12 =	sadd.s32 s1, s21;
	s23 =	sshrl.u32 s9, $0x3;
	[dreg:$0xd] =	wrdreg s2  }
0x10: {  	s25 =	sadd.s32 s3, s21;
	s22 =	sadd.s32 $0x9C40, s12;
	[dreg:$0x6] =	wrdreg s12  }
0x11: {  	s21 =	simm.s32 $0x13880;
	s0 =	sadd.s32 s1, s23;
	[dreg:$0x8] =	wrdreg s22  }
0x12: {  	s26 =	simm.s32 $0x50;
	[dreg:$0x9] =	wrdreg s0;
	s0 =	sadd.s32 $0x4D8, s25  }
0x13: {  	s24 =	sadd.s32 $0x9C4A, s12;
	[dreg:$0xb] =	wrdreg s0;
	s0 =	sshll.u32 @!p0 s11, $0x6  }
0x14: {  	s2 =	simm.s32 $0x0;
	[dreg:$0xa] =	wrdreg s24;
	s0 =	sor.u32 @!p0 $0x1C07, s0  }
0x15: {  	s22 =	simm.s32 $0x13900;
	[dreg:$0xe] =	wrdreg s0;
	s0 =	sshrl.u32 @!p0 s7, $0x3  }
0x16: {  	v0 =	vlaneseq.u32;
	s25 =	simm.s32 $0x1;
	s7 =	simm.s32 $0x1DA80;
	[dreg:$0xf] =	wrdreg s0  }
.LBB2_1:
0x17: {  	[dreg:$0x10] =	wrdreg s2  }
0x18: {  	s2 =	rddreg [dreg:$0x7]  }
0x19: {  	s0 =	simm.s32 @p0 $0x1FC7;
	s8 =	rddreg [dreg:$0xd]  }
0x1a: {  	[spmem:s8], [sflag:s0] =	dma.local @p0 [hbm:s2], $0x2080  }
0x1b: {  	s0 =	simm.s32 @p0 $0x7  }
0x1c: {  	_ =	swait.ge @p0 [sflag:s0], $0x2080  }
0x1d: {  	s2 =	rddreg [dreg:$0xe]  }
0x1e: {  	[sflag:s0] =	ssyncset.done @p0 $0x0;
	s8 =	rddreg [dreg:$0xf]  }
0x1f: {  	[sflag:s0] =	ssyncadd.s32 @p0 $0xFFFFDF80;
	s0 =	rddreg [dreg:$0x5]  }
0x20: {  	[spmem:s8], [sflag:s2] =	dma.local @!p0 [hbm:s0], $0x2780  }
0x21: {  	s0 =	simm.s32 @!p0 $0x7  }
0x22: {  	_ =	swait.ge @!p0 [sflag:s0], $0x2780  }
0x23: {  	[sflag:s0] =	ssyncset.done @!p0 $0x0  }
0x24: {  	s17 =	rddreg [dreg:$0x6];
	[sflag:s0] =	ssyncadd.s32 @!p0 $0xFFFFD880  }
0x25: {  	[tilespmem:s21], [sflag:$0x1] =	stream.linear.gather [hbm4b:s17+s6], $0x50, $0x38;
	[tilespmem:$0x1DB80] =	vst v63  }
0x26: {  	s18 =	rddreg [dreg:$0x8]  }
0x27: {  	[tilespmem:s22], [sflag:$0x1] =	stream.linear.gather [hbm4b:s18+s6], $0x50, $0x38;
	[tilespmem:$0x1DB80] =	vst v63  }
0x28: {  	s20 =	simm.s32 $0x13980;
	s19 =	rddreg [dreg:$0x9]  }
0x29: {  	[tilespmem:s20], [sflag:$0x2] =	stream.linear.gather [hbm4b:s19+s6], $0x50, $0x38;
	[tilespmem:$0x1DB80] =	vst v63  }
0x2a: {  	s24 =	simm.s32 $0x13A00;
	s23 =	rddreg [dreg:$0xa]  }
0x2b: {  	[tilespmem:s24], [sflag:$0x2] =	stream.linear.gather [hbm4b:s23+s6], $0x50, $0x38;
	[tilespmem:$0x1DB80] =	vst v63  }
0x2c: {  	[bflag:$0x0] =	sbarrier.arrive $0xFFFF  }
0x2d: {  	_ =	swait.ge [sflag:s25], $0x50  }
0x2e: {  	[sflag:s25] =	ssyncset.done $0x0  }
0x2f: {  	[sflag:s25] =	ssyncadd.s32 $0xFFFFFFB0  }
0x30: {  	_ =	swait.ge [sflag:s25], $0x50  }
0x31: {  	[sflag:s25] =	ssyncset.done $0x0  }
0x32: {  	[sflag:s25] =	ssyncadd.s32 $0xFFFFFFB0  }
0x33: {  	[tilespmem:s28], [sflag:$0x3] =	stream.indirect.gather [spmem:s4], $0x80, s21, s26, $0xb8;
	[tilespmem:$0x1DB80] =	vst v63  }
0x34: {  	s17 =	simm.s32 $0x0  }
0x35: {  	[tilespmem:s29], [sflag:$0x3] =	stream.indirect.gather [spmem:s4], $0x80, s22, s26, $0xb8;
	[tilespmem:$0x1DB80] =	vst v63  }
.LBB2_2:
0x36: {  	_ =	swait.ge [sflag:s30], $0x2800  }
0x37: {  	s18 =	smul.u32 $0xA0, s17;
	[sflag:s30] =	ssyncset.done $0x0  }
0x38: {  	[sflag:s30] =	ssyncadd.s32 $0xFFFFD800  }
0x39: {  	s0 =	sadd.s32 s18, s14;
	_ =	swait.ge [sflag:s30], $0x2800  }
0x3a: {  	s0 =	sshrl.u32 s0, $0x3;
	[sflag:s30] =	ssyncset.done $0x0  }
0x3b: {  	s0 =	sadd.s32 s1, s0;
	[sflag:s30] =	ssyncadd.s32 $0xFFFFD800  }
0x3c: {  	[tilespmem:s21], [sflag:$0x1] =	stream.linear.gather [hbm4b:s0+s6], $0x50, $0x38;
	[tilespmem:$0x1DB80] =	vst v63  }
0x3d: {  	s0 =	sadd.s32 $0x9C40, s0  }
0x3e: {  	[tilespmem:s22], [sflag:$0x1] =	stream.linear.gather [hbm4b:s0+s6], $0x50, $0x38;
	[tilespmem:$0x1DB80] =	vst v63  }
0x3f: {  	_ =	swait.ge [sflag:s31], $0x50  }
0x40: {  	[sflag:s31] =	ssyncset.done $0x0  }
0x41: {  	[sflag:s31] =	ssyncadd.s32 $0xFFFFFFB0  }
0x42: {  	_ =	swait.ge [sflag:s31], $0x50  }
0x43: {  	s20 =	simm.s32 $0x13980;
	[sflag:s31] =	ssyncset.done $0x0  }
0x44: {  	s2 =	simm.s32 $0x18A80;
	p1 =	seq.s32 s17, $0x0;
	[sflag:s31] =	ssyncadd.s32 $0xFFFFFFB0  }
0x45: {  	[tilespmem:s2], [sflag:$0x4] =	stream.indirect.gather [spmem:s4], $0x80, s20, s26, $0xb8;
	[tilespmem:$0x1DB80] =	vst v63  }
0x46: {  	s23 =	simm.s32 $0x13A00;
	s24 =	simm.s32 $0x1B280;
	s0 =	simm.s32 @!p1 $0x5  }
0x47: {  	[tilespmem:s24], [sflag:$0x4] =	stream.indirect.gather [spmem:s4], $0x80, s23, s26, $0xb8;
	[tilespmem:$0x1DB80] =	vst v63  }
0x48: {  	_ =	swait.ge @!p1 [sflag:s0], $0x50  }
0x49: {  	s19 =	simm.s32 $0x0;
	[sflag:s0] =	ssyncset.done @!p1 $0x0  }
0x4a: {  	s16 =	simm.s32 $0x16380;
	s2 =	simm.s32 $0x13B80;
	[sflag:s0] =	ssyncadd.s32 @!p1 $0xFFFFFFB0  }
.LBB2_3:
0x4b: {  	v3 =	vld [tilespmem:s2+$0x70]  }
0x4c: {  	v21 =	vld [tilespmem:s16+$0x70]  }
0x4d: {  	v12 =	vld [tilespmem:s2+$0xFFFFFFF0]  }
0x4e: {  	v24 =	vld [tilespmem:s16+$0xFFFFFFF0]  }
0x4f: {  	v1 =	vld [tilespmem:s2+$0xE0]  }
0x50: {  	v2 =	vld [tilespmem:s2+$0xFFFFFF70]  }
0x51: {  	v30 =	vld [tilespmem:s2+$0x60]  }
0x52: {  	v45 =	vld [tilespmem:s16+$0x60]  }
0x53: {  	v46 =	vld [tilespmem:s2+$0xFFFFFFE0]  }
0x54: {  	v47 =	vld [tilespmem:s16+$0xFFFFFFE0]  }
0x55: {  	v4 =	vld [tilespmem:s2+$0xD0]  }
0x56: {  	v5 =	vld [tilespmem:s2+$0xFFFFFF60]  }
0x57: {  	v15 =	vld [tilespmem:s2+$0x50]  }
0x58: {  	v18 =	vld [tilespmem:s16+$0x50]  }
0x59: {  	v13 =	vld [tilespmem:s2+$0xFFFFFFD0]  }
0x5a: {  	v14 =	vld [tilespmem:s16+$0xFFFFFFD0]  }
0x5b: {  	v6 =	vld [tilespmem:s2+$0xC0]  }
0x5c: {  	v7 =	vld [tilespmem:s2+$0xFFFFFF50]  }
0x5d: {  	v17 =	vld [tilespmem:s2+$0x40]  }
0x5e: {  	v19 =	vld [tilespmem:s16+$0x40]  }
0x5f: {  	v10 =	vld [tilespmem:s2+$0xFFFFFFC0]  }
0x60: {  	v16 =	vld [tilespmem:s16+$0xFFFFFFC0]  }
0x61: {  	v8 =	vld [tilespmem:s2+$0xB0]  }
0x62: {  	v9 =	vld [tilespmem:s2+$0xFFFFFF40]  }
0x63: {  	v28 =	vld [tilespmem:s2+$0x30]  }
0x64: {  	v29 =	vld [tilespmem:s16+$0x30]  }
0x65: {  	v22 =	vld [tilespmem:s2+$0xFFFFFFB0]  }
0x66: {  	v23 =	vld [tilespmem:s16+$0xFFFFFFB0]  }
0x67: {  	v11 =	vld [tilespmem:s2+$0xA0]  }
0x68: {  	v20 =	vld [tilespmem:s2+$0xFFFFFF30]  }
0x69: {  	v33 =	vld [tilespmem:s2+$0x20]  }
0x6a: {  	v34 =	vld [tilespmem:s16+$0x20]  }
0x6b: {  	v31 =	vld [tilespmem:s2+$0xFFFFFFA0]  }
0x6c: {  	v32 =	vld [tilespmem:s16+$0xFFFFFFA0]  }
0x6d: {  	v25 =	vld [tilespmem:s2+$0x80]  }
0x6e: {  	v26 =	vld [tilespmem:s16+$0x80]  }
0x6f: {  	v27 =	vld [tilespmem:s2+$0x90]  }
0x70: {  	v42 =	vld [tilespmem:s2+$0x0]  }
0x71: {  	v43 =	vld [tilespmem:s16+$0x0]  }
0x72: {  	v44 =	vld [tilespmem:s2+$0x10]  }
0x73: {  	v48 =	vld [tilespmem:s16+$0x10]  }
0x74: {  	v38 =	vld [tilespmem:s2+$0xFFFFFF80]  }
0x75: {  	v39 =	vld [tilespmem:s16+$0xFFFFFF80]  }
0x76: {  	v40 =	vld [tilespmem:s2+$0xFFFFFF90]  }
0x77: {  	v41 =	vld [tilespmem:s16+$0xFFFFFF90]  }
0x78: {  	v35 =	vld [tilespmem:s2+$0xFFFFFF00]  }
0x79: {  	v36 =	vld [tilespmem:s16+$0xFFFFFF00];
	v12 =	vmul.f32 v24, v12;
	v21 =	vmul.f32 v21, v3  }
0x7a: {  	v37 =	vld [tilespmem:s2+$0xFFFFFF10];
	s13 =	sshll.u32 s19, $0x4;
	s0 =	simm.s32 $0x4;
	v43 =	vmul.f32 v43, v42;
	v44 =	vmul.f32 v48, v44  }
0x7b: {  	s8 =	smov.u32 s2;
	s20 =	smov.u32 s16;
	s12 =	simm.s32 $0x0;
	v3 =	vimm.f32 $0.0e+00;
	v42 =	vld [tilespmem:s16+$0xFFFFFF10];
	v24 =	vmul.f32 v47, v46;
	v30 =	vmul.f32 v45, v30  }
.LBB2_4:
0x7c: {  	p2 =	slt.u32 s0, $0xC;
	v45 =	vld [tilespmem:s8+$0xFFFFFF20];
	v43 =	vadd.f32 v44, v43;
	v33 =	vmul.f32 v34, v33;
	v15 =	vmul.f32 v18, v15  }
0x7d: {  	v34 =	vmul.f32 v39, v38;
	v38 =	vmul.f32 v41, v40;
	v18 =	vld [tilespmem:s20+$0xFFFFFF20]  }
0x7e: {  	v13 =	vmul.f32 v14, v13;
	v28 =	vmul.f32 v29, v28;
	v14 =	vadd.f32 v33, v43;
	v29 =	vld [tilespmem:s20+$0x90]  }
0x7f: {  	v31 =	vmul.f32 v32, v31;
	v17 =	vmul.f32 v19, v17;
	v34 =	vadd.f32 v38, v34;
	v33 =	vld [tilespmem:s20+$0xFFFFFF30]  }
0x80: {  	v19 =	vmul.f32 v36, v35;
	v32 =	vmul.f32 v42, v37;
	v14 =	vadd.f32 v28, v14;
	v28 =	vld [tilespmem:s20+$0xA0]  }
0x81: {  	v22 =	vmul.f32 v23, v22;
	v10 =	vmul.f32 v16, v10;
	v31 =	vadd.f32 v31, v34;
	v35 =	vld [tilespmem:s20+$0xFFFFFF40]  }
0x82: {  	v16 =	vadd.f32 v32, v19;
	v18 =	vmul.f32 v18, v45;
	v14 =	vadd.f32 v17, v14;
	v17 =	vld [tilespmem:s20+$0xB0]  }
0x83: {  	v23 =	vmul.f32 v26, v25;
	v22 =	vadd.f32 v22, v31;
	v19 =	vld [tilespmem:s20+$0xFFFFFF50];
	v25 =	vmul.f32 v29, v27  }
0x84: {  	v16 =	vadd.f32 v18, v16;
	v18 =	vmul.f32 v33, v20;
	v14 =	vadd.f32 v15, v14;
	v15 =	vld [tilespmem:s20+$0xC0]  }
0x85: {  	v10 =	vadd.f32 v10, v22;
	v20 =	vld [tilespmem:s20+$0xFFFFFF60];
	v22 =	vadd.f32 v25, v23;
	v11 =	vmul.f32 v28, v11  }
0x86: {  	v16 =	vadd.f32 v18, v16;
	v9 =	vmul.f32 v35, v9;
	v14 =	vadd.f32 v30, v14;
	v18 =	vld [tilespmem:s20+$0xD0]  }
0x87: {  	v10 =	vadd.f32 v13, v10;
	v23 =	vld [tilespmem:s20+$0xFFFFFF70];
	v11 =	vadd.f32 v11, v22;
	v8 =	vmul.f32 v17, v8  }
0x88: {  	v9 =	vadd.f32 v9, v16;
	v7 =	vmul.f32 v19, v7;
	v13 =	vadd.f32 v21, v14;
	v14 =	vld [tilespmem:s20+$0xE0]  }
0x89: {  	v10 =	vadd.f32 v24, v10;
	v8 =	vadd.f32 v8, v11;
	v6 =	vmul.f32 v15, v6;
	v11 =	vld [tilespmem:s8+$0xF0]  }
0x8a: {  	s8 =	sadd.s32 $0x200, s8;
	v7 =	vadd.f32 v7, v9;
	v5 =	vmul.f32 v20, v5;
	v9 =	vld [tilespmem:s20+$0xF0];
	(xrf2) =	vadd.scan.msk.f32 $0xffff, v13  }
0x8b: {  	v10 =	vadd.f32 v12, v10;
	s20 =	sadd.s32 $0x200, s20;
	v21 =	vld [tilespmem:s8+$0x70];
	v6 =	vadd.f32 v6, v8;
	v4 =	vmul.f32 v18, v4  }
0x8c: {  	v24 =	vld [tilespmem:s20+$0x70];
	v5 =	vadd.f32 v5, v7;
	v2 =	vmul.f32 v23, v2  }
0x8d: {  	v12 =	vld [tilespmem:s8+$0xFFFFFFF0];
	v4 =	vadd.f32 v4, v6;
	v6 =	vmul.f32 v14, v1;
	(xrf2) =	vadd.scan.msk.f32 $0xffff, v10  }
0x8e: {  	v30 =	vld [tilespmem:s20+$0xFFFFFFF0];
	v5 =	vadd.f32 v2, v5  }
0x8f: {  	v1 =	vld [tilespmem:s8+$0xE0];
	v4 =	vadd.f32 v6, v4;
	v6 =	vmul.f32 v9, v11  }
0x90: {  	v2 =	vld [tilespmem:s8+$0xFFFFFF70];
	(xrf2) =	vadd.scan.msk.f32 $0xffff, v5  }
0x91: {  	v45 =	vld [tilespmem:s8+$0x60];
	v4 =	vadd.f32 v6, v4  }
0x92: {  	v46 =	vld [tilespmem:s20+$0x60]  }
0x93: {  	v47 =	vld [tilespmem:s8+$0xFFFFFFE0];
	(xrf2) =	vadd.scan.msk.f32 $0xffff, v4  }
0x94: {  	v48 =	vld [tilespmem:s20+$0xFFFFFFE0];
	v8, _, _ =	vpop (xrf2)  }
0x95: {  	v4 =	vld [tilespmem:s8+$0xD0]  }
0x96: {  	v5 =	vld [tilespmem:s8+$0xFFFFFF60]  }
0x97: {  	v15 =	vld [tilespmem:s8+$0x50];
	v9, _, _ =	vpop (xrf2)  }
0x98: {  	v18 =	vld [tilespmem:s20+$0x50]  }
0x99: {  	v13 =	vld [tilespmem:s8+$0xFFFFFFD0]  }
0x9a: {  	s11 =	sadd.s32 $0x2, s12;
	s23 =	sadd.s32 $0x3, s12;
	v10 =	vmov s12;
	v14 =	vld [tilespmem:s20+$0xFFFFFFD0];
	v7, _, _ =	vpop (xrf2)  }
0x9b: {  	s24 =	sadd.s32 $0x1, s12;
	v16 =	vmov s11;
	v20 =	vmov s23;
	s12 =	smov.u32 s0;
	v6 =	vld [tilespmem:s8+$0xC0];
	v11 =	vbroadcast v7, $0xF  }
0x9c: {  	v19 =	vmov s24;
	vm0 =	veq.s32 v10, v0;
	v9 =	vbroadcast v9, $0xF;
	v7 =	vld [tilespmem:s8+$0xFFFFFF50]  }
0x9d: {  	v8 =	vbroadcast v8, $0xF;
	v17 =	vld [tilespmem:s8+$0x40];
	v3 =	vsel vm0, v11, v3;
	vm0 =	veq.s32 v19, v0;
	v10, _, _ =	vpop (xrf2)  }
0x9e: {  	v19 =	vld [tilespmem:s20+$0x40];
	v3 =	vsel vm0, v9, v3;
	vm0 =	veq.s32 v16, v0;
	v9 =	vbroadcast v10, $0xF  }
0x9f: {  	v10 =	vld [tilespmem:s8+$0xFFFFFFC0];
	v3 =	vsel vm0, v8, v3;
	vm0 =	veq.s32 v20, v0  }
0xa0: {  	v16 =	vld [tilespmem:s20+$0xFFFFFFC0];
	v3 =	vsel vm0, v9, v3  }
0xa1: {  	v8 =	vld [tilespmem:s8+$0xB0]  }
0xa2: {  	v9 =	vld [tilespmem:s8+$0xFFFFFF40]  }
0xa3: {  	v28 =	vld [tilespmem:s8+$0x30]  }
0xa4: {  	v29 =	vld [tilespmem:s20+$0x30]  }
0xa5: {  	v22 =	vld [tilespmem:s8+$0xFFFFFFB0]  }
0xa6: {  	v23 =	vld [tilespmem:s20+$0xFFFFFFB0]  }
0xa7: {  	v11 =	vld [tilespmem:s8+$0xA0]  }
0xa8: {  	v20 =	vld [tilespmem:s8+$0xFFFFFF30]  }
0xa9: {  	v33 =	vld [tilespmem:s8+$0x20]  }
0xaa: {  	v34 =	vld [tilespmem:s20+$0x20]  }
0xab: {  	v31 =	vld [tilespmem:s8+$0xFFFFFFA0]  }
0xac: {  	v32 =	vld [tilespmem:s20+$0xFFFFFFA0]  }
0xad: {  	v25 =	vld [tilespmem:s8+$0x80]  }
0xae: {  	v26 =	vld [tilespmem:s20+$0x80]  }
0xaf: {  	v27 =	vld [tilespmem:s8+$0x90]  }
0xb0: {  	v42 =	vld [tilespmem:s8+$0x0]  }
0xb1: {  	v43 =	vld [tilespmem:s20+$0x0]  }
0xb2: {  	v44 =	vld [tilespmem:s8+$0x10]  }
0xb3: {  	v49 =	vld [tilespmem:s20+$0x10]  }
0xb4: {  	v38 =	vld [tilespmem:s8+$0xFFFFFF80]  }
0xb5: {  	v39 =	vld [tilespmem:s20+$0xFFFFFF80]  }
0xb6: {  	v40 =	vld [tilespmem:s8+$0xFFFFFF90]  }
.Ltmp0:
0xb7: {  	v41 =	vld [tilespmem:s20+$0xFFFFFF90];
	(pc) =	sbr.rel @p2 .LBB2_4-.Ltmp0, $4  }
0xb8: {  	v35 =	vld [tilespmem:s8+$0xFFFFFF00]  }
0xb9: {  	v21 =	vmul.f32 v24, v21;
	v12 =	vmul.f32 v30, v12;
	v36 =	vld [tilespmem:s20+$0xFFFFFF00]  }
0xba: {  	v43 =	vmul.f32 v43, v42;
	v44 =	vmul.f32 v49, v44;
	v37 =	vld [tilespmem:s8+$0xFFFFFF10]  }
0xbb: {  	s0 =	sadd.s32 $0x4, s0;
	v30 =	vmul.f32 v46, v45;
	v24 =	vmul.f32 v48, v47;
	v42 =	vld [tilespmem:s20+$0xFFFFFF10]  }
0xbc: {  	v45 =	vld [tilespmem:s8+$0xFFFFFF20];
	v33 =	vmul.f32 v34, v33;
	v15 =	vmul.f32 v18, v15  }
0xbd: {  	v54 =	vld [tilespmem:s20+$0xFFFFFF20];
	v55 =	vmul.f32 v39, v38;
	v56 =	vmul.f32 v41, v40  }
0xbe: {  	v57 =	vld [tilespmem:s20+$0x90];
	v13 =	vmul.f32 v14, v13;
	v28 =	vmul.f32 v29, v28  }
0xbf: {  	v59 =	vld [tilespmem:s20+$0xFFFFFF30];
	v31 =	vmul.f32 v32, v31;
	v17 =	vmul.f32 v19, v17  }
0xc0: {  	v43 =	vadd.f32 v44, v43;
	v63 =	vld [tilespmem:s20+$0xA0];
	v61 =	vmul.f32 v36, v35;
	v62 =	vmul.f32 v42, v37  }
0xc1: {  	v40 =	vld [tilespmem:s20+$0xFFFFFF40];
	v22 =	vmul.f32 v23, v22;
	v25 =	vmul.f32 v26, v25;
	v60 =	vadd.f32 v56, v55  }
0xc2: {  	v58 =	vadd.f32 v33, v43;
	v42 =	vld [tilespmem:s20+$0xB0];
	v18 =	vmul.f32 v54, v45;
	v41 =	vadd.f32 v62, v61  }
0xc3: {  	v10 =	vmul.f32 v16, v10;
	v43 =	vld [tilespmem:s20+$0xFFFFFF50];
	v31 =	vadd.f32 v31, v60;
	v44 =	vmul.f32 v57, v27  }
0xc4: {  	v47 =	vld [tilespmem:s20+$0xC0];
	v14 =	vadd.f32 v28, v58;
	v46 =	vmul.f32 v59, v20;
	v45 =	vadd.f32 v18, v41  }
0xc5: {  	v48 =	vld [tilespmem:s20+$0xFFFFFF60];
	v11 =	vmul.f32 v63, v11;
	v22 =	vadd.f32 v22, v31;
	v25 =	vadd.f32 v44, v25  }
0xc6: {  	v49 =	vld [tilespmem:s20+$0xD0];
	v9 =	vmul.f32 v40, v9;
	v14 =	vadd.f32 v17, v14;
	v16 =	vadd.f32 v46, v45  }
0xc7: {  	v50 =	vld [tilespmem:s20+$0xFFFFFF70];
	v10 =	vadd.f32 v10, v22;
	v11 =	vadd.f32 v11, v25;
	v8 =	vmul.f32 v42, v8  }
0xc8: {  	v51 =	vld [tilespmem:s20+$0xE0];
	v7 =	vmul.f32 v43, v7;
	v14 =	vadd.f32 v15, v14;
	v9 =	vadd.f32 v9, v16  }
0xc9: {  	v52 =	vld [tilespmem:s8+$0xF0];
	v6 =	vmul.f32 v47, v6;
	v10 =	vadd.f32 v13, v10;
	v8 =	vadd.f32 v8, v11  }
0xca: {  	v5 =	vmul.f32 v48, v5;
	v54 =	vld [tilespmem:s20+$0xF0];
	v53 =	vadd.f32 v30, v14;
	v7 =	vadd.f32 v7, v9  }
0xcb: {  	v4 =	vmul.f32 v49, v4;
	v10 =	vadd.f32 v24, v10;
	v6 =	vadd.f32 v6, v8  }
0xcc: {  	v2 =	vmul.f32 v50, v2;
	v55 =	vadd.f32 v21, v53;
	v5 =	vadd.f32 v5, v7  }
0xcd: {  	v1 =	vmul.f32 v51, v1;
	v56 =	vadd.f32 v12, v10;
	v4 =	vadd.f32 v4, v6  }
0xce: {  	(xrf2) =	vadd.scan.msk.f32 $0xffff, v55;
	v2 =	vadd.f32 v2, v5  }
0xcf: {  	v57 =	vmul.f32 v54, v52;
	(xrf2) =	vadd.scan.msk.f32 $0xffff, v56;
	v1 =	vadd.f32 v1, v4  }
0xd0: {  	(xrf2) =	vadd.scan.msk.f32 $0xffff, v2  }
0xd1: {  	v1 =	vadd.f32 v57, v1;
	_ =	sdelay $0x1  }
0xd2: {  	(xrf2) =	vadd.scan.msk.f32 $0xffff, v1;
	_ =	sdelay $0x4  }
0xd3: {  	v1, _, _ =	vpop (xrf2)  }
0xd4: {  	v2, _, _ =	vpop (xrf2)  }
0xd5: {  	s0 =	sadd.s32 $0x2, s12;
	v58 =	vmov s12;
	v59, _, _ =	vpop (xrf2)  }
0xd6: {  	s11 =	sadd.s32 $0x1, s12;
	v60 =	vmov s0;
	vm0 =	veq.s32 v58, v0;
	v5 =	vbroadcast v59, $0xF  }
0xd7: {  	vm14 =	veq.s32 v60, v0;
	v62 =	vmov s11;
	v2 =	vbroadcast v2, $0xF  }
0xd8: {  	s24 =	sadd.s32 $0x3, s12;
	vm13 =	veq.s32 v62, v0;
	v1 =	vbroadcast v1, $0xF;
	v63, _, _ =	vpop (xrf2);
	v3 =	vsel vm0, v5, v3  }
0xd9: {  	v61 =	vmov s24;
	v2 =	vsel vm13, v2, v3;
	v3 =	vbroadcast v63, $0xF  }
0xda: {  	vm15 =	veq.s32 v61, v0;
	v1 =	vsel vm14, v1, v2  }
0xdb: {  	v1 =	vsel vm15, v3, v1  }
0xdc: {  	v1 =	vsub.f32 $0.0e+00, v1;
	_ =	sdelay $0x1  }
0xdd: {  	v1 =	vmul.f32 $1.442695020e+00, v1;
	_ =	sdelay $0x1  }
0xde: {  	(erf) = vpow2.f32 v1;
	_ =	sdelay $0x8  }
0xdf: {  	v1 =	vpop (erf)  }
0xe0: {  	v1 =	vadd.f32 $1.000000000e+00, v1;
	_ =	sdelay $0x1  }
0xe1: {  	(erf) = vrcp.f32 v1;
	_ =	sdelay $0x3  }
0xe2: {  	s19 =	sadd.s32 $0x1, s19  }
0xe3: {  	p2 =	sne.s32 s19, $0x5  }
.Ltmp1:
0xe4: {  	_ = 	snop;
	(pc) =	sbr.rel @p2 .LBB2_3-.Ltmp1, $3  }
0xe5: {  	_ =	sdelay $0x1  }
0xe6: {  	v1 =	vpop (erf)  }
0xe7: {  	s16 =	sadd.s32 $0x800, s16;
	s2 =	sadd.s32 $0x800, s2;
	[tilespmem:s13+$0x1DA80] =	vst v1  }
0xe8: {  	s0 =	sadd.s32 s5, s18  }
0xe9: {  	s0 =	sshrl.u32 s0, $0x3  }
0xea: {  	s0 =	sadd.s32 s3, s0  }
0xeb: {  	[hbm4b:s0+s6] =	stream.linear.scatter [tilespmem:s7], [sflag:$0x5], $0x50, $0x38;
	[tilespmem:$0x1DB80] =	vst v63  }
0xec: {  	_ =	swait.ge [sflag:s10], $0x2800  }
0xed: {  	[sflag:s10] =	ssyncset.done $0x0  }
0xee: {  	p2 =	seq.s32 s17, $0x3D;
	[sflag:s10] =	ssyncadd.s32 $0xFFFFD800  }
0xef: {  	s0 =	sadd.s32 @!p2 s18, s15;
	_ =	swait.ge [sflag:s10], $0x2800  }
0xf0: {  	s2 =	simm.s32 @!p2 $0x0;
	s0 =	sshrl.u32 @!p2 s0, $0x3;
	[sflag:s10] =	ssyncset.done $0x0  }
0xf1: {  	s8 =	simm.s32 @!p2 $0x13980;
	s0 =	sadd.s32 @!p2 s1, s0;
	[sflag:s10] =	ssyncadd.s32 $0xFFFFD800  }
0xf2: {  	[tilespmem:s8], [sflag:$0x2] =	stream.linear.gather @!p2 [hbm4b:s0+s2], $0x50, $0x38;
	[tilespmem:$0x1DB80] =	vst v63  }
0xf3: {  	s0 =	sadd.s32 @!p2 $0x9C40, s0;
	s8 =	simm.s32 @!p2 $0x13A00  }
0xf4: {  	[tilespmem:s8], [sflag:$0x2] =	stream.linear.gather @!p2 [hbm4b:s0+s2], $0x50, $0x38;
	[tilespmem:$0x1DB80] =	vst v63  }
0xf5: {  	_ =	swait.ge [sflag:s25], $0x50  }
0xf6: {  	[sflag:s25] =	ssyncset.done $0x0  }
0xf7: {  	[sflag:s25] =	ssyncadd.s32 $0xFFFFFFB0  }
0xf8: {  	_ =	swait.ge [sflag:s25], $0x50  }
0xf9: {  	[sflag:s25] =	ssyncset.done $0x0  }
0xfa: {  	[sflag:s25] =	ssyncadd.s32 $0xFFFFFFB0  }
0xfb: {  	[tilespmem:s28], [sflag:$0x3] =	stream.indirect.gather [spmem:s4], $0x80, s21, s26, $0xb8;
	[tilespmem:$0x1DB80] =	vst v63  }
0xfc: {  	s0 =	simm.s32 @!p1 $0x6  }
0xfd: {  	[tilespmem:s29], [sflag:$0x3] =	stream.indirect.gather [spmem:s4], $0x80, s22, s26, $0xb8;
	[tilespmem:$0x1DB80] =	vst v63  }
0xfe: {  	_ =	swait.ge @!p1 [sflag:s0], $0x50  }
0xff: {  	s19 =	simm.s32 $0x0;
	[sflag:s0] =	ssyncset.done @!p1 $0x0  }
0x100: {  	s20 =	simm.s32 $0x1B380;
	s8 =	simm.s32 $0x18B80;
	[sflag:s0] =	ssyncadd.s32 @!p1 $0xFFFFFFB0  }
.LBB2_7:
0x101: {  	v3 =	vld [tilespmem:s8+$0x70]  }
0x102: {  	v21 =	vld [tilespmem:s20+$0x70]  }
0x103: {  	v12 =	vld [tilespmem:s8+$0xFFFFFFF0]  }
0x104: {  	v24 =	vld [tilespmem:s20+$0xFFFFFFF0]  }
0x105: {  	v1 =	vld [tilespmem:s8+$0xE0]  }
0x106: {  	v2 =	vld [tilespmem:s8+$0xFFFFFF70]  }
0x107: {  	v30 =	vld [tilespmem:s8+$0x60]  }
0x108: {  	v45 =	vld [tilespmem:s20+$0x60]  }
0x109: {  	v46 =	vld [tilespmem:s8+$0xFFFFFFE0]  }
0x10a: {  	v47 =	vld [tilespmem:s20+$0xFFFFFFE0]  }
0x10b: {  	v4 =	vld [tilespmem:s8+$0xD0]  }
0x10c: {  	v5 =	vld [tilespmem:s8+$0xFFFFFF60]  }
0x10d: {  	v15 =	vld [tilespmem:s8+$0x50]  }
0x10e: {  	v18 =	vld [tilespmem:s20+$0x50]  }
0x10f: {  	v13 =	vld [tilespmem:s8+$0xFFFFFFD0]  }
0x110: {  	v14 =	vld [tilespmem:s20+$0xFFFFFFD0]  }
0x111: {  	v6 =	vld [tilespmem:s8+$0xC0]  }
0x112: {  	v7 =	vld [tilespmem:s8+$0xFFFFFF50]  }
0x113: {  	v17 =	vld [tilespmem:s8+$0x40]  }
0x114: {  	v19 =	vld [tilespmem:s20+$0x40]  }
0x115: {  	v10 =	vld [tilespmem:s8+$0xFFFFFFC0]  }
0x116: {  	v16 =	vld [tilespmem:s20+$0xFFFFFFC0]  }
0x117: {  	v8 =	vld [tilespmem:s8+$0xB0]  }
0x118: {  	v9 =	vld [tilespmem:s8+$0xFFFFFF40]  }
0x119: {  	v28 =	vld [tilespmem:s8+$0x30]  }
0x11a: {  	v29 =	vld [tilespmem:s20+$0x30]  }
0x11b: {  	v22 =	vld [tilespmem:s8+$0xFFFFFFB0]  }
0x11c: {  	v23 =	vld [tilespmem:s20+$0xFFFFFFB0]  }
0x11d: {  	v11 =	vld [tilespmem:s8+$0xA0]  }
0x11e: {  	v20 =	vld [tilespmem:s8+$0xFFFFFF30]  }
0x11f: {  	v33 =	vld [tilespmem:s8+$0x20]  }
0x120: {  	v34 =	vld [tilespmem:s20+$0x20]  }
0x121: {  	v31 =	vld [tilespmem:s8+$0xFFFFFFA0]  }
0x122: {  	v32 =	vld [tilespmem:s20+$0xFFFFFFA0]  }
0x123: {  	v25 =	vld [tilespmem:s8+$0x80]  }
0x124: {  	v26 =	vld [tilespmem:s20+$0x80]  }
0x125: {  	v27 =	vld [tilespmem:s8+$0x90]  }
0x126: {  	v42 =	vld [tilespmem:s8+$0x0]  }
0x127: {  	v43 =	vld [tilespmem:s20+$0x0]  }
0x128: {  	v44 =	vld [tilespmem:s8+$0x10]  }
0x129: {  	v48 =	vld [tilespmem:s20+$0x10]  }
0x12a: {  	v38 =	vld [tilespmem:s8+$0xFFFFFF80]  }
0x12b: {  	v39 =	vld [tilespmem:s20+$0xFFFFFF80]  }
0x12c: {  	v40 =	vld [tilespmem:s8+$0xFFFFFF90]  }
0x12d: {  	v41 =	vld [tilespmem:s20+$0xFFFFFF90]  }
0x12e: {  	v35 =	vld [tilespmem:s8+$0xFFFFFF00]  }
0x12f: {  	v36 =	vld [tilespmem:s20+$0xFFFFFF00];
	v12 =	vmul.f32 v24, v12;
	v21 =	vmul.f32 v21, v3  }
0x130: {  	v37 =	vld [tilespmem:s8+$0xFFFFFF10];
	s13 =	sshll.u32 s19, $0x4;
	s0 =	simm.s32 $0x4;
	v43 =	vmul.f32 v43, v42;
	v44 =	vmul.f32 v48, v44  }
0x131: {  	s2 =	smov.u32 s8;
	s16 =	smov.u32 s20;
	s12 =	simm.s32 $0x0;
	v3 =	vimm.f32 $0.0e+00;
	v42 =	vld [tilespmem:s20+$0xFFFFFF10];
	v24 =	vmul.f32 v47, v46;
	v30 =	vmul.f32 v45, v30  }
.LBB2_8:
0x132: {  	p1 =	slt.u32 s0, $0xC;
	v45 =	vld [tilespmem:s2+$0xFFFFFF20];
	v43 =	vadd.f32 v44, v43;
	v33 =	vmul.f32 v34, v33;
	v15 =	vmul.f32 v18, v15  }
0x133: {  	v34 =	vmul.f32 v39, v38;
	v38 =	vmul.f32 v41, v40;
	v18 =	vld [tilespmem:s16+$0xFFFFFF20]  }
0x134: {  	v13 =	vmul.f32 v14, v13;
	v28 =	vmul.f32 v29, v28;
	v14 =	vadd.f32 v33, v43;
	v29 =	vld [tilespmem:s16+$0x90]  }
0x135: {  	v31 =	vmul.f32 v32, v31;
	v17 =	vmul.f32 v19, v17;
	v34 =	vadd.f32 v38, v34;
	v33 =	vld [tilespmem:s16+$0xFFFFFF30]  }
0x136: {  	v19 =	vmul.f32 v36, v35;
	v32 =	vmul.f32 v42, v37;
	v14 =	vadd.f32 v28, v14;
	v28 =	vld [tilespmem:s16+$0xA0]  }
0x137: {  	v22 =	vmul.f32 v23, v22;
	v10 =	vmul.f32 v16, v10;
	v31 =	vadd.f32 v31, v34;
	v35 =	vld [tilespmem:s16+$0xFFFFFF40]  }
0x138: {  	v16 =	vadd.f32 v32, v19;
	v18 =	vmul.f32 v18, v45;
	v14 =	vadd.f32 v17, v14;
	v17 =	vld [tilespmem:s16+$0xB0]  }
0x139: {  	v23 =	vmul.f32 v26, v25;
	v22 =	vadd.f32 v22, v31;
	v19 =	vld [tilespmem:s16+$0xFFFFFF50];
	v25 =	vmul.f32 v29, v27  }
0x13a: {  	v16 =	vadd.f32 v18, v16;
	v18 =	vmul.f32 v33, v20;
	v14 =	vadd.f32 v15, v14;
	v15 =	vld [tilespmem:s16+$0xC0]  }
0x13b: {  	v10 =	vadd.f32 v10, v22;
	v20 =	vld [tilespmem:s16+$0xFFFFFF60];
	v22 =	vadd.f32 v25, v23;
	v11 =	vmul.f32 v28, v11  }
0x13c: {  	v16 =	vadd.f32 v18, v16;
	v9 =	vmul.f32 v35, v9;
	v14 =	vadd.f32 v30, v14;
	v18 =	vld [tilespmem:s16+$0xD0]  }
0x13d: {  	v10 =	vadd.f32 v13, v10;
	v23 =	vld [tilespmem:s16+$0xFFFFFF70];
	v11 =	vadd.f32 v11, v22;
	v8 =	vmul.f32 v17, v8  }
0x13e: {  	v9 =	vadd.f32 v9, v16;
	v7 =	vmul.f32 v19, v7;
	v13 =	vadd.f32 v21, v14;
	v14 =	vld [tilespmem:s16+$0xE0]  }
0x13f: {  	v10 =	vadd.f32 v24, v10;
	v8 =	vadd.f32 v8, v11;
	v6 =	vmul.f32 v15, v6;
	v11 =	vld [tilespmem:s2+$0xF0]  }
0x140: {  	s2 =	sadd.s32 $0x200, s2;
	v7 =	vadd.f32 v7, v9;
	v5 =	vmul.f32 v20, v5;
	v9 =	vld [tilespmem:s16+$0xF0];
	(xrf2) =	vadd.scan.msk.f32 $0xffff, v13  }
0x141: {  	v10 =	vadd.f32 v12, v10;
	s16 =	sadd.s32 $0x200, s16;
	v21 =	vld [tilespmem:s2+$0x70];
	v6 =	vadd.f32 v6, v8;
	v4 =	vmul.f32 v18, v4  }
0x142: {  	v24 =	vld [tilespmem:s16+$0x70];
	v5 =	vadd.f32 v5, v7;
	v2 =	vmul.f32 v23, v2  }
0x143: {  	v12 =	vld [tilespmem:s2+$0xFFFFFFF0];
	v4 =	vadd.f32 v4, v6;
	v6 =	vmul.f32 v14, v1;
	(xrf2) =	vadd.scan.msk.f32 $0xffff, v10  }
0x144: {  	v30 =	vld [tilespmem:s16+$0xFFFFFFF0];
	v5 =	vadd.f32 v2, v5  }
0x145: {  	v1 =	vld [tilespmem:s2+$0xE0];
	v4 =	vadd.f32 v6, v4;
	v6 =	vmul.f32 v9, v11  }
0x146: {  	v2 =	vld [tilespmem:s2+$0xFFFFFF70];
	(xrf2) =	vadd.scan.msk.f32 $0xffff, v5  }
0x147: {  	v45 =	vld [tilespmem:s2+$0x60];
	v4 =	vadd.f32 v6, v4  }
0x148: {  	v46 =	vld [tilespmem:s16+$0x60]  }
0x149: {  	v47 =	vld [tilespmem:s2+$0xFFFFFFE0];
	(xrf2) =	vadd.scan.msk.f32 $0xffff, v4  }
0x14a: {  	v48 =	vld [tilespmem:s16+$0xFFFFFFE0];
	v8, _, _ =	vpop (xrf2)  }
0x14b: {  	v4 =	vld [tilespmem:s2+$0xD0]  }
0x14c: {  	v5 =	vld [tilespmem:s2+$0xFFFFFF60]  }
0x14d: {  	v15 =	vld [tilespmem:s2+$0x50];
	v9, _, _ =	vpop (xrf2)  }
0x14e: {  	v18 =	vld [tilespmem:s16+$0x50]  }
0x14f: {  	v13 =	vld [tilespmem:s2+$0xFFFFFFD0]  }
0x150: {  	s11 =	sadd.s32 $0x2, s12;
	s23 =	sadd.s32 $0x3, s12;
	v10 =	vmov s12;
	v14 =	vld [tilespmem:s16+$0xFFFFFFD0];
	v7, _, _ =	vpop (xrf2)  }
0x151: {  	s24 =	sadd.s32 $0x1, s12;
	v16 =	vmov s11;
	v20 =	vmov s23;
	s12 =	smov.u32 s0;
	v6 =	vld [tilespmem:s2+$0xC0];
	v11 =	vbroadcast v7, $0xF  }
0x152: {  	v19 =	vmov s24;
	vm0 =	veq.s32 v10, v0;
	v9 =	vbroadcast v9, $0xF;
	v7 =	vld [tilespmem:s2+$0xFFFFFF50]  }
0x153: {  	v8 =	vbroadcast v8, $0xF;
	v17 =	vld [tilespmem:s2+$0x40];
	v3 =	vsel vm0, v11, v3;
	vm0 =	veq.s32 v19, v0;
	v10, _, _ =	vpop (xrf2)  }
0x154: {  	v19 =	vld [tilespmem:s16+$0x40];
	v3 =	vsel vm0, v9, v3;
	vm0 =	veq.s32 v16, v0;
	v9 =	vbroadcast v10, $0xF  }
0x155: {  	v10 =	vld [tilespmem:s2+$0xFFFFFFC0];
	v3 =	vsel vm0, v8, v3;
	vm0 =	veq.s32 v20, v0  }
0x156: {  	v16 =	vld [tilespmem:s16+$0xFFFFFFC0];
	v3 =	vsel vm0, v9, v3  }
0x157: {  	v8 =	vld [tilespmem:s2+$0xB0]  }
0x158: {  	v9 =	vld [tilespmem:s2+$0xFFFFFF40]  }
0x159: {  	v28 =	vld [tilespmem:s2+$0x30]  }
0x15a: {  	v29 =	vld [tilespmem:s16+$0x30]  }
0x15b: {  	v22 =	vld [tilespmem:s2+$0xFFFFFFB0]  }
0x15c: {  	v23 =	vld [tilespmem:s16+$0xFFFFFFB0]  }
0x15d: {  	v11 =	vld [tilespmem:s2+$0xA0]  }
0x15e: {  	v20 =	vld [tilespmem:s2+$0xFFFFFF30]  }
0x15f: {  	v33 =	vld [tilespmem:s2+$0x20]  }
0x160: {  	v34 =	vld [tilespmem:s16+$0x20]  }
0x161: {  	v31 =	vld [tilespmem:s2+$0xFFFFFFA0]  }
0x162: {  	v32 =	vld [tilespmem:s16+$0xFFFFFFA0]  }
0x163: {  	v25 =	vld [tilespmem:s2+$0x80]  }
0x164: {  	v26 =	vld [tilespmem:s16+$0x80]  }
0x165: {  	v27 =	vld [tilespmem:s2+$0x90]  }
0x166: {  	v42 =	vld [tilespmem:s2+$0x0]  }
0x167: {  	v43 =	vld [tilespmem:s16+$0x0]  }
0x168: {  	v44 =	vld [tilespmem:s2+$0x10]  }
0x169: {  	v49 =	vld [tilespmem:s16+$0x10]  }
0x16a: {  	v38 =	vld [tilespmem:s2+$0xFFFFFF80]  }
0x16b: {  	v39 =	vld [tilespmem:s16+$0xFFFFFF80]  }
0x16c: {  	v40 =	vld [tilespmem:s2+$0xFFFFFF90]  }
.Ltmp2:
0x16d: {  	v41 =	vld [tilespmem:s16+$0xFFFFFF90];
	(pc) =	sbr.rel @p1 .LBB2_8-.Ltmp2, $4  }
0x16e: {  	v35 =	vld [tilespmem:s2+$0xFFFFFF00]  }
0x16f: {  	v21 =	vmul.f32 v24, v21;
	v12 =	vmul.f32 v30, v12;
	v36 =	vld [tilespmem:s16+$0xFFFFFF00]  }
0x170: {  	v43 =	vmul.f32 v43, v42;
	v44 =	vmul.f32 v49, v44;
	v37 =	vld [tilespmem:s2+$0xFFFFFF10]  }
0x171: {  	s0 =	sadd.s32 $0x4, s0;
	v30 =	vmul.f32 v46, v45;
	v24 =	vmul.f32 v48, v47;
	v42 =	vld [tilespmem:s16+$0xFFFFFF10]  }
0x172: {  	v45 =	vld [tilespmem:s2+$0xFFFFFF20];
	v33 =	vmul.f32 v34, v33;
	v15 =	vmul.f32 v18, v15  }
0x173: {  	v54 =	vld [tilespmem:s16+$0xFFFFFF20];
	v55 =	vmul.f32 v39, v38;
	v56 =	vmul.f32 v41, v40  }
0x174: {  	v57 =	vld [tilespmem:s16+$0x90];
	v13 =	vmul.f32 v14, v13;
	v28 =	vmul.f32 v29, v28  }
0x175: {  	v59 =	vld [tilespmem:s16+$0xFFFFFF30];
	v31 =	vmul.f32 v32, v31;
	v17 =	vmul.f32 v19, v17  }
0x176: {  	v43 =	vadd.f32 v44, v43;
	v63 =	vld [tilespmem:s16+$0xA0];
	v61 =	vmul.f32 v36, v35;
	v62 =	vmul.f32 v42, v37  }
0x177: {  	v40 =	vld [tilespmem:s16+$0xFFFFFF40];
	v22 =	vmul.f32 v23, v22;
	v25 =	vmul.f32 v26, v25;
	v60 =	vadd.f32 v56, v55  }
0x178: {  	v58 =	vadd.f32 v33, v43;
	v42 =	vld [tilespmem:s16+$0xB0];
	v18 =	vmul.f32 v54, v45;
	v41 =	vadd.f32 v62, v61  }
0x179: {  	v10 =	vmul.f32 v16, v10;
	v43 =	vld [tilespmem:s16+$0xFFFFFF50];
	v31 =	vadd.f32 v31, v60;
	v44 =	vmul.f32 v57, v27  }
0x17a: {  	v47 =	vld [tilespmem:s16+$0xC0];
	v14 =	vadd.f32 v28, v58;
	v46 =	vmul.f32 v59, v20;
	v45 =	vadd.f32 v18, v41  }
0x17b: {  	v48 =	vld [tilespmem:s16+$0xFFFFFF60];
	v11 =	vmul.f32 v63, v11;
	v22 =	vadd.f32 v22, v31;
	v25 =	vadd.f32 v44, v25  }
0x17c: {  	v49 =	vld [tilespmem:s16+$0xD0];
	v9 =	vmul.f32 v40, v9;
	v14 =	vadd.f32 v17, v14;
	v16 =	vadd.f32 v46, v45  }
0x17d: {  	v50 =	vld [tilespmem:s16+$0xFFFFFF70];
	v10 =	vadd.f32 v10, v22;
	v11 =	vadd.f32 v11, v25;
	v8 =	vmul.f32 v42, v8  }
0x17e: {  	v51 =	vld [tilespmem:s16+$0xE0];
	v7 =	vmul.f32 v43, v7;
	v14 =	vadd.f32 v15, v14;
	v9 =	vadd.f32 v9, v16  }
0x17f: {  	v52 =	vld [tilespmem:s2+$0xF0];
	v6 =	vmul.f32 v47, v6;
	v10 =	vadd.f32 v13, v10;
	v8 =	vadd.f32 v8, v11  }
0x180: {  	v5 =	vmul.f32 v48, v5;
	v54 =	vld [tilespmem:s16+$0xF0];
	v53 =	vadd.f32 v30, v14;
	v7 =	vadd.f32 v7, v9  }
0x181: {  	v4 =	vmul.f32 v49, v4;
	v10 =	vadd.f32 v24, v10;
	v6 =	vadd.f32 v6, v8  }
0x182: {  	v2 =	vmul.f32 v50, v2;
	v55 =	vadd.f32 v21, v53;
	v5 =	vadd.f32 v5, v7  }
0x183: {  	v1 =	vmul.f32 v51, v1;
	v56 =	vadd.f32 v12, v10;
	v4 =	vadd.f32 v4, v6  }
0x184: {  	(xrf2) =	vadd.scan.msk.f32 $0xffff, v55;
	v2 =	vadd.f32 v2, v5  }
0x185: {  	v57 =	vmul.f32 v54, v52;
	(xrf2) =	vadd.scan.msk.f32 $0xffff, v56;
	v1 =	vadd.f32 v1, v4  }
0x186: {  	(xrf2) =	vadd.scan.msk.f32 $0xffff, v2  }
0x187: {  	v1 =	vadd.f32 v57, v1;
	_ =	sdelay $0x1  }
0x188: {  	(xrf2) =	vadd.scan.msk.f32 $0xffff, v1;
	_ =	sdelay $0x4  }
0x189: {  	v1, _, _ =	vpop (xrf2)  }
0x18a: {  	v2, _, _ =	vpop (xrf2)  }
0x18b: {  	s0 =	sadd.s32 $0x2, s12;
	v58 =	vmov s12;
	v59, _, _ =	vpop (xrf2)  }
0x18c: {  	s11 =	sadd.s32 $0x1, s12;
	v60 =	vmov s0;
	vm0 =	veq.s32 v58, v0;
	v5 =	vbroadcast v59, $0xF  }
0x18d: {  	vm14 =	veq.s32 v60, v0;
	v62 =	vmov s11;
	v2 =	vbroadcast v2, $0xF  }
0x18e: {  	s24 =	sadd.s32 $0x3, s12;
	vm13 =	veq.s32 v62, v0;
	v1 =	vbroadcast v1, $0xF;
	v63, _, _ =	vpop (xrf2);
	v3 =	vsel vm0, v5, v3  }
0x18f: {  	v61 =	vmov s24;
	v2 =	vsel vm13, v2, v3;
	v3 =	vbroadcast v63, $0xF  }
0x190: {  	vm15 =	veq.s32 v61, v0;
	v1 =	vsel vm14, v1, v2  }
0x191: {  	v1 =	vsel vm15, v3, v1  }
0x192: {  	v1 =	vsub.f32 $0.0e+00, v1;
	_ =	sdelay $0x1  }
0x193: {  	v1 =	vmul.f32 $1.442695020e+00, v1;
	_ =	sdelay $0x1  }
0x194: {  	(erf) = vpow2.f32 v1;
	_ =	sdelay $0x8  }
0x195: {  	v1 =	vpop (erf)  }
0x196: {  	v1 =	vadd.f32 $1.000000000e+00, v1;
	_ =	sdelay $0x1  }
0x197: {  	(erf) = vrcp.f32 v1;
	_ =	sdelay $0x3  }
0x198: {  	s19 =	sadd.s32 $0x1, s19  }
0x199: {  	p1 =	sne.s32 s19, $0x5  }
.Ltmp3:
0x19a: {  	_ = 	snop;
	(pc) =	sbr.rel @p1 .LBB2_7-.Ltmp3, $3  }
0x19b: {  	_ =	sdelay $0x1  }
0x19c: {  	v1 =	vpop (erf)  }
0x19d: {  	s20 =	sadd.s32 $0x800, s20;
	s8 =	sadd.s32 $0x800, s8;
	[tilespmem:s13+$0x1DB00] =	vst v1  }
0x19e: {  	s17 =	sadd.s32 $0x1, s17  }
0x19f: {  	p1 =	sne.s32 s17, $0x3E  }
.Ltmp4:
0x1a0: {  	_ = 	snop;
	(pc) =	sbr.rel @p1 .LBB2_2-.Ltmp4, $4  }
0x1a1: {  	s0 =	sadd.s32 s18, s9  }
0x1a2: {  	s0 =	sshrl.u32 s0, $0x3  }
0x1a3: {  	s2 =	simm.s32 $0x1DB00;
	s0 =	sadd.s32 s3, s0  }
0x1a4: {  	[hbm4b:s0+s6] =	stream.linear.scatter [tilespmem:s2], [sflag:$0x6], $0x50, $0x38;
	[tilespmem:$0x1DB80] =	vst v63  }
0x1a5: {  	_ =	swait.ge [sflag:s30], $0x2800  }
0x1a6: {  	[sflag:s30] =	ssyncset.done $0x0  }
0x1a7: {  	[sflag:s30] =	ssyncadd.s32 $0xFFFFD800  }
0x1a8: {  	_ =	swait.ge [sflag:s30], $0x2800  }
0x1a9: {  	[sflag:s30] =	ssyncset.done $0x0  }
0x1aa: {  	s23 =	simm.s32 $0x5;
	[sflag:s30] =	ssyncadd.s32 $0xFFFFD800  }
0x1ab: {  	_ =	swait.ge [sflag:s23], $0x50  }
0x1ac: {  	s17 =	simm.s32 $0x0;
	[sflag:s23] =	ssyncset.done $0x0  }
0x1ad: {  	s18 =	simm.s32 $0x16380;
	s8 =	simm.s32 $0x13B80;
	[sflag:s23] =	ssyncadd.s32 $0xFFFFFFB0  }
.LBB2_12:
0x1ae: {  	v3 =	vld [tilespmem:s8+$0x70]  }
0x1af: {  	v21 =	vld [tilespmem:s18+$0x70]  }
0x1b0: {  	v12 =	vld [tilespmem:s8+$0xFFFFFFF0]  }
0x1b1: {  	v24 =	vld [tilespmem:s18+$0xFFFFFFF0]  }
0x1b2: {  	v1 =	vld [tilespmem:s8+$0xE0]  }
0x1b3: {  	v2 =	vld [tilespmem:s8+$0xFFFFFF70]  }
0x1b4: {  	v30 =	vld [tilespmem:s8+$0x60]  }
0x1b5: {  	v45 =	vld [tilespmem:s18+$0x60]  }
0x1b6: {  	v46 =	vld [tilespmem:s8+$0xFFFFFFE0]  }
0x1b7: {  	v47 =	vld [tilespmem:s18+$0xFFFFFFE0]  }
0x1b8: {  	v4 =	vld [tilespmem:s8+$0xD0]  }
0x1b9: {  	v5 =	vld [tilespmem:s8+$0xFFFFFF60]  }
0x1ba: {  	v15 =	vld [tilespmem:s8+$0x50]  }
0x1bb: {  	v18 =	vld [tilespmem:s18+$0x50]  }
0x1bc: {  	v13 =	vld [tilespmem:s8+$0xFFFFFFD0]  }
0x1bd: {  	v14 =	vld [tilespmem:s18+$0xFFFFFFD0]  }
0x1be: {  	v6 =	vld [tilespmem:s8+$0xC0]  }
0x1bf: {  	v7 =	vld [tilespmem:s8+$0xFFFFFF50]  }
0x1c0: {  	v17 =	vld [tilespmem:s8+$0x40]  }
0x1c1: {  	v19 =	vld [tilespmem:s18+$0x40]  }
0x1c2: {  	v10 =	vld [tilespmem:s8+$0xFFFFFFC0]  }
0x1c3: {  	v16 =	vld [tilespmem:s18+$0xFFFFFFC0]  }
0x1c4: {  	v8 =	vld [tilespmem:s8+$0xB0]  }
0x1c5: {  	v9 =	vld [tilespmem:s8+$0xFFFFFF40]  }
0x1c6: {  	v28 =	vld [tilespmem:s8+$0x30]  }
0x1c7: {  	v29 =	vld [tilespmem:s18+$0x30]  }
0x1c8: {  	v22 =	vld [tilespmem:s8+$0xFFFFFFB0]  }
0x1c9: {  	v23 =	vld [tilespmem:s18+$0xFFFFFFB0]  }
0x1ca: {  	v11 =	vld [tilespmem:s8+$0xA0]  }
0x1cb: {  	v20 =	vld [tilespmem:s8+$0xFFFFFF30]  }
0x1cc: {  	v33 =	vld [tilespmem:s8+$0x20]  }
0x1cd: {  	v34 =	vld [tilespmem:s18+$0x20]  }
0x1ce: {  	v31 =	vld [tilespmem:s8+$0xFFFFFFA0]  }
0x1cf: {  	v32 =	vld [tilespmem:s18+$0xFFFFFFA0]  }
0x1d0: {  	v25 =	vld [tilespmem:s8+$0x80]  }
0x1d1: {  	v26 =	vld [tilespmem:s18+$0x80]  }
0x1d2: {  	v27 =	vld [tilespmem:s8+$0x90]  }
0x1d3: {  	v42 =	vld [tilespmem:s8+$0x0]  }
0x1d4: {  	v43 =	vld [tilespmem:s18+$0x0]  }
0x1d5: {  	v44 =	vld [tilespmem:s8+$0x10]  }
0x1d6: {  	v48 =	vld [tilespmem:s18+$0x10]  }
0x1d7: {  	v38 =	vld [tilespmem:s8+$0xFFFFFF80]  }
0x1d8: {  	v39 =	vld [tilespmem:s18+$0xFFFFFF80]  }
0x1d9: {  	v40 =	vld [tilespmem:s8+$0xFFFFFF90]  }
0x1da: {  	v41 =	vld [tilespmem:s18+$0xFFFFFF90]  }
0x1db: {  	v35 =	vld [tilespmem:s8+$0xFFFFFF00]  }
0x1dc: {  	v36 =	vld [tilespmem:s18+$0xFFFFFF00];
	v12 =	vmul.f32 v24, v12;
	v21 =	vmul.f32 v21, v3  }
0x1dd: {  	v37 =	vld [tilespmem:s8+$0xFFFFFF10];
	s13 =	sshll.u32 s17, $0x4;
	s0 =	simm.s32 $0x4;
	v43 =	vmul.f32 v43, v42;
	v44 =	vmul.f32 v48, v44  }
0x1de: {  	s2 =	smov.u32 s8;
	s16 =	smov.u32 s18;
	s12 =	simm.s32 $0x0;
	v3 =	vimm.f32 $0.0e+00;
	v42 =	vld [tilespmem:s18+$0xFFFFFF10];
	v24 =	vmul.f32 v47, v46;
	v30 =	vmul.f32 v45, v30  }
.LBB2_13:
0x1df: {  	p1 =	slt.u32 s0, $0xC;
	v45 =	vld [tilespmem:s2+$0xFFFFFF20];
	v43 =	vadd.f32 v44, v43;
	v33 =	vmul.f32 v34, v33;
	v15 =	vmul.f32 v18, v15  }
0x1e0: {  	v34 =	vmul.f32 v39, v38;
	v38 =	vmul.f32 v41, v40;
	v18 =	vld [tilespmem:s16+$0xFFFFFF20]  }
0x1e1: {  	v13 =	vmul.f32 v14, v13;
	v28 =	vmul.f32 v29, v28;
	v14 =	vadd.f32 v33, v43;
	v29 =	vld [tilespmem:s16+$0x90]  }
0x1e2: {  	v31 =	vmul.f32 v32, v31;
	v17 =	vmul.f32 v19, v17;
	v34 =	vadd.f32 v38, v34;
	v33 =	vld [tilespmem:s16+$0xFFFFFF30]  }
0x1e3: {  	v19 =	vmul.f32 v36, v35;
	v32 =	vmul.f32 v42, v37;
	v14 =	vadd.f32 v28, v14;
	v28 =	vld [tilespmem:s16+$0xA0]  }
0x1e4: {  	v22 =	vmul.f32 v23, v22;
	v10 =	vmul.f32 v16, v10;
	v31 =	vadd.f32 v31, v34;
	v35 =	vld [tilespmem:s16+$0xFFFFFF40]  }
0x1e5: {  	v16 =	vadd.f32 v32, v19;
	v18 =	vmul.f32 v18, v45;
	v14 =	vadd.f32 v17, v14;
	v17 =	vld [tilespmem:s16+$0xB0]  }
0x1e6: {  	v23 =	vmul.f32 v26, v25;
	v22 =	vadd.f32 v22, v31;
	v19 =	vld [tilespmem:s16+$0xFFFFFF50];
	v25 =	vmul.f32 v29, v27  }
0x1e7: {  	v16 =	vadd.f32 v18, v16;
	v18 =	vmul.f32 v33, v20;
	v14 =	vadd.f32 v15, v14;
	v15 =	vld [tilespmem:s16+$0xC0]  }
0x1e8: {  	v10 =	vadd.f32 v10, v22;
	v20 =	vld [tilespmem:s16+$0xFFFFFF60];
	v22 =	vadd.f32 v25, v23;
	v11 =	vmul.f32 v28, v11  }
0x1e9: {  	v16 =	vadd.f32 v18, v16;
	v9 =	vmul.f32 v35, v9;
	v14 =	vadd.f32 v30, v14;
	v18 =	vld [tilespmem:s16+$0xD0]  }
0x1ea: {  	v10 =	vadd.f32 v13, v10;
	v23 =	vld [tilespmem:s16+$0xFFFFFF70];
	v11 =	vadd.f32 v11, v22;
	v8 =	vmul.f32 v17, v8  }
0x1eb: {  	v9 =	vadd.f32 v9, v16;
	v7 =	vmul.f32 v19, v7;
	v13 =	vadd.f32 v21, v14;
	v14 =	vld [tilespmem:s16+$0xE0]  }
0x1ec: {  	v10 =	vadd.f32 v24, v10;
	v8 =	vadd.f32 v8, v11;
	v6 =	vmul.f32 v15, v6;
	v11 =	vld [tilespmem:s2+$0xF0]  }
0x1ed: {  	s2 =	sadd.s32 $0x200, s2;
	v7 =	vadd.f32 v7, v9;
	v5 =	vmul.f32 v20, v5;
	v9 =	vld [tilespmem:s16+$0xF0];
	(xrf2) =	vadd.scan.msk.f32 $0xffff, v13  }
0x1ee: {  	v10 =	vadd.f32 v12, v10;
	s16 =	sadd.s32 $0x200, s16;
	v21 =	vld [tilespmem:s2+$0x70];
	v6 =	vadd.f32 v6, v8;
	v4 =	vmul.f32 v18, v4  }
0x1ef: {  	v24 =	vld [tilespmem:s16+$0x70];
	v5 =	vadd.f32 v5, v7;
	v2 =	vmul.f32 v23, v2  }
0x1f0: {  	v12 =	vld [tilespmem:s2+$0xFFFFFFF0];
	v4 =	vadd.f32 v4, v6;
	v6 =	vmul.f32 v14, v1;
	(xrf2) =	vadd.scan.msk.f32 $0xffff, v10  }
0x1f1: {  	v30 =	vld [tilespmem:s16+$0xFFFFFFF0];
	v5 =	vadd.f32 v2, v5  }
0x1f2: {  	v1 =	vld [tilespmem:s2+$0xE0];
	v4 =	vadd.f32 v6, v4;
	v6 =	vmul.f32 v9, v11  }
0x1f3: {  	v2 =	vld [tilespmem:s2+$0xFFFFFF70];
	(xrf2) =	vadd.scan.msk.f32 $0xffff, v5  }
0x1f4: {  	v45 =	vld [tilespmem:s2+$0x60];
	v4 =	vadd.f32 v6, v4  }
0x1f5: {  	v46 =	vld [tilespmem:s16+$0x60]  }
0x1f6: {  	v47 =	vld [tilespmem:s2+$0xFFFFFFE0];
	(xrf2) =	vadd.scan.msk.f32 $0xffff, v4  }
0x1f7: {  	v48 =	vld [tilespmem:s16+$0xFFFFFFE0];
	v8, _, _ =	vpop (xrf2)  }
0x1f8: {  	v4 =	vld [tilespmem:s2+$0xD0]  }
0x1f9: {  	v5 =	vld [tilespmem:s2+$0xFFFFFF60]  }
0x1fa: {  	v15 =	vld [tilespmem:s2+$0x50];
	v9, _, _ =	vpop (xrf2)  }
0x1fb: {  	v18 =	vld [tilespmem:s16+$0x50]  }
0x1fc: {  	v13 =	vld [tilespmem:s2+$0xFFFFFFD0]  }
0x1fd: {  	s11 =	sadd.s32 $0x2, s12;
	s19 =	sadd.s32 $0x3, s12;
	v10 =	vmov s12;
	v14 =	vld [tilespmem:s16+$0xFFFFFFD0];
	v7, _, _ =	vpop (xrf2)  }
0x1fe: {  	s20 =	sadd.s32 $0x1, s12;
	v16 =	vmov s11;
	v20 =	vmov s19;
	s12 =	smov.u32 s0;
	v6 =	vld [tilespmem:s2+$0xC0];
	v11 =	vbroadcast v7, $0xF  }
0x1ff: {  	v19 =	vmov s20;
	vm0 =	veq.s32 v10, v0;
	v9 =	vbroadcast v9, $0xF;
	v7 =	vld [tilespmem:s2+$0xFFFFFF50]  }
0x200: {  	v8 =	vbroadcast v8, $0xF;
	v17 =	vld [tilespmem:s2+$0x40];
	v3 =	vsel vm0, v11, v3;
	vm0 =	veq.s32 v19, v0;
	v10, _, _ =	vpop (xrf2)  }
0x201: {  	v19 =	vld [tilespmem:s16+$0x40];
	v3 =	vsel vm0, v9, v3;
	vm0 =	veq.s32 v16, v0;
	v9 =	vbroadcast v10, $0xF  }
0x202: {  	v10 =	vld [tilespmem:s2+$0xFFFFFFC0];
	v3 =	vsel vm0, v8, v3;
	vm0 =	veq.s32 v20, v0  }
0x203: {  	v16 =	vld [tilespmem:s16+$0xFFFFFFC0];
	v3 =	vsel vm0, v9, v3  }
0x204: {  	v8 =	vld [tilespmem:s2+$0xB0]  }
0x205: {  	v9 =	vld [tilespmem:s2+$0xFFFFFF40]  }
0x206: {  	v28 =	vld [tilespmem:s2+$0x30]  }
0x207: {  	v29 =	vld [tilespmem:s16+$0x30]  }
0x208: {  	v22 =	vld [tilespmem:s2+$0xFFFFFFB0]  }
0x209: {  	v23 =	vld [tilespmem:s16+$0xFFFFFFB0]  }
0x20a: {  	v11 =	vld [tilespmem:s2+$0xA0]  }
0x20b: {  	v20 =	vld [tilespmem:s2+$0xFFFFFF30]  }
0x20c: {  	v33 =	vld [tilespmem:s2+$0x20]  }
0x20d: {  	v34 =	vld [tilespmem:s16+$0x20]  }
0x20e: {  	v31 =	vld [tilespmem:s2+$0xFFFFFFA0]  }
0x20f: {  	v32 =	vld [tilespmem:s16+$0xFFFFFFA0]  }
0x210: {  	v25 =	vld [tilespmem:s2+$0x80]  }
0x211: {  	v26 =	vld [tilespmem:s16+$0x80]  }
0x212: {  	v27 =	vld [tilespmem:s2+$0x90]  }
0x213: {  	v42 =	vld [tilespmem:s2+$0x0]  }
0x214: {  	v43 =	vld [tilespmem:s16+$0x0]  }
0x215: {  	v44 =	vld [tilespmem:s2+$0x10]  }
0x216: {  	v49 =	vld [tilespmem:s16+$0x10]  }
0x217: {  	v38 =	vld [tilespmem:s2+$0xFFFFFF80]  }
0x218: {  	v39 =	vld [tilespmem:s16+$0xFFFFFF80]  }
0x219: {  	v40 =	vld [tilespmem:s2+$0xFFFFFF90]  }
.Ltmp5:
0x21a: {  	v41 =	vld [tilespmem:s16+$0xFFFFFF90];
	(pc) =	sbr.rel @p1 .LBB2_13-.Ltmp5, $4  }
0x21b: {  	v35 =	vld [tilespmem:s2+$0xFFFFFF00]  }
0x21c: {  	v21 =	vmul.f32 v24, v21;
	v12 =	vmul.f32 v30, v12;
	v36 =	vld [tilespmem:s16+$0xFFFFFF00]  }
0x21d: {  	v43 =	vmul.f32 v43, v42;
	v44 =	vmul.f32 v49, v44;
	v37 =	vld [tilespmem:s2+$0xFFFFFF10]  }
0x21e: {  	s0 =	sadd.s32 $0x4, s0;
	v30 =	vmul.f32 v46, v45;
	v24 =	vmul.f32 v48, v47;
	v42 =	vld [tilespmem:s16+$0xFFFFFF10]  }
0x21f: {  	v45 =	vld [tilespmem:s2+$0xFFFFFF20];
	v33 =	vmul.f32 v34, v33;
	v15 =	vmul.f32 v18, v15  }
0x220: {  	v54 =	vld [tilespmem:s16+$0xFFFFFF20];
	v55 =	vmul.f32 v39, v38;
	v56 =	vmul.f32 v41, v40  }
0x221: {  	v57 =	vld [tilespmem:s16+$0x90];
	v13 =	vmul.f32 v14, v13;
	v28 =	vmul.f32 v29, v28  }
0x222: {  	v59 =	vld [tilespmem:s16+$0xFFFFFF30];
	v31 =	vmul.f32 v32, v31;
	v17 =	vmul.f32 v19, v17  }
0x223: {  	v43 =	vadd.f32 v44, v43;
	v63 =	vld [tilespmem:s16+$0xA0];
	v61 =	vmul.f32 v36, v35;
	v62 =	vmul.f32 v42, v37  }
0x224: {  	v40 =	vld [tilespmem:s16+$0xFFFFFF40];
	v22 =	vmul.f32 v23, v22;
	v25 =	vmul.f32 v26, v25;
	v60 =	vadd.f32 v56, v55  }
0x225: {  	v58 =	vadd.f32 v33, v43;
	v42 =	vld [tilespmem:s16+$0xB0];
	v18 =	vmul.f32 v54, v45;
	v41 =	vadd.f32 v62, v61  }
0x226: {  	v10 =	vmul.f32 v16, v10;
	v43 =	vld [tilespmem:s16+$0xFFFFFF50];
	v31 =	vadd.f32 v31, v60;
	v44 =	vmul.f32 v57, v27  }
0x227: {  	v47 =	vld [tilespmem:s16+$0xC0];
	v14 =	vadd.f32 v28, v58;
	v46 =	vmul.f32 v59, v20;
	v45 =	vadd.f32 v18, v41  }
0x228: {  	v48 =	vld [tilespmem:s16+$0xFFFFFF60];
	v11 =	vmul.f32 v63, v11;
	v22 =	vadd.f32 v22, v31;
	v25 =	vadd.f32 v44, v25  }
0x229: {  	v49 =	vld [tilespmem:s16+$0xD0];
	v9 =	vmul.f32 v40, v9;
	v14 =	vadd.f32 v17, v14;
	v16 =	vadd.f32 v46, v45  }
0x22a: {  	v50 =	vld [tilespmem:s16+$0xFFFFFF70];
	v10 =	vadd.f32 v10, v22;
	v11 =	vadd.f32 v11, v25;
	v8 =	vmul.f32 v42, v8  }
0x22b: {  	v51 =	vld [tilespmem:s16+$0xE0];
	v7 =	vmul.f32 v43, v7;
	v14 =	vadd.f32 v15, v14;
	v9 =	vadd.f32 v9, v16  }
0x22c: {  	v52 =	vld [tilespmem:s2+$0xF0];
	v6 =	vmul.f32 v47, v6;
	v10 =	vadd.f32 v13, v10;
	v8 =	vadd.f32 v8, v11  }
0x22d: {  	v5 =	vmul.f32 v48, v5;
	v54 =	vld [tilespmem:s16+$0xF0];
	v53 =	vadd.f32 v30, v14;
	v7 =	vadd.f32 v7, v9  }
0x22e: {  	v4 =	vmul.f32 v49, v4;
	v10 =	vadd.f32 v24, v10;
	v6 =	vadd.f32 v6, v8  }
0x22f: {  	v2 =	vmul.f32 v50, v2;
	v55 =	vadd.f32 v21, v53;
	v5 =	vadd.f32 v5, v7  }
0x230: {  	v1 =	vmul.f32 v51, v1;
	v56 =	vadd.f32 v12, v10;
	v4 =	vadd.f32 v4, v6  }
0x231: {  	(xrf2) =	vadd.scan.msk.f32 $0xffff, v55;
	v2 =	vadd.f32 v2, v5  }
0x232: {  	v57 =	vmul.f32 v54, v52;
	(xrf2) =	vadd.scan.msk.f32 $0xffff, v56;
	v1 =	vadd.f32 v1, v4  }
0x233: {  	(xrf2) =	vadd.scan.msk.f32 $0xffff, v2  }
0x234: {  	v1 =	vadd.f32 v57, v1;
	_ =	sdelay $0x1  }
0x235: {  	(xrf2) =	vadd.scan.msk.f32 $0xffff, v1;
	_ =	sdelay $0x4  }
0x236: {  	v1, _, _ =	vpop (xrf2)  }
0x237: {  	v2, _, _ =	vpop (xrf2)  }
0x238: {  	s0 =	sadd.s32 $0x2, s12;
	v58 =	vmov s12;
	v59, _, _ =	vpop (xrf2)  }
0x239: {  	s11 =	sadd.s32 $0x1, s12;
	v60 =	vmov s0;
	vm0 =	veq.s32 v58, v0;
	v5 =	vbroadcast v59, $0xF  }
0x23a: {  	vm14 =	veq.s32 v60, v0;
	v62 =	vmov s11;
	v2 =	vbroadcast v2, $0xF  }
0x23b: {  	s24 =	sadd.s32 $0x3, s12;
	vm13 =	veq.s32 v62, v0;
	v1 =	vbroadcast v1, $0xF;
	v63, _, _ =	vpop (xrf2);
	v3 =	vsel vm0, v5, v3  }
0x23c: {  	v61 =	vmov s24;
	v2 =	vsel vm13, v2, v3;
	v3 =	vbroadcast v63, $0xF  }
0x23d: {  	vm15 =	veq.s32 v61, v0;
	v1 =	vsel vm14, v1, v2  }
0x23e: {  	v1 =	vsel vm15, v3, v1  }
0x23f: {  	v1 =	vsub.f32 $0.0e+00, v1;
	_ =	sdelay $0x1  }
0x240: {  	v1 =	vmul.f32 $1.442695020e+00, v1;
	_ =	sdelay $0x1  }
0x241: {  	(erf) = vpow2.f32 v1;
	_ =	sdelay $0x8  }
0x242: {  	v1 =	vpop (erf)  }
0x243: {  	v1 =	vadd.f32 $1.000000000e+00, v1;
	_ =	sdelay $0x1  }
0x244: {  	(erf) = vrcp.f32 v1;
	_ =	sdelay $0x3  }
0x245: {  	s17 =	sadd.s32 $0x1, s17  }
0x246: {  	p1 =	sne.s32 s17, $0x5  }
.Ltmp6:
0x247: {  	_ = 	snop;
	(pc) =	sbr.rel @p1 .LBB2_12-.Ltmp6, $3  }
0x248: {  	_ =	sdelay $0x1  }
0x249: {  	v1 =	vpop (erf)  }
0x24a: {  	s18 =	sadd.s32 $0x800, s18;
	s8 =	sadd.s32 $0x800, s8;
	[tilespmem:s13+$0x1DA80] =	vst v1  }
0x24b: {  	s0 =	rddreg [dreg:$0xb];
	s20 =	simm.s32 $0x6  }
0x24c: {  	[hbm4b:s0+s6] =	stream.linear.scatter [tilespmem:s7], [sflag:$0x5], $0x50, $0x38;
	[tilespmem:$0x1DB80] =	vst v63  }
0x24d: {  	_ =	swait.ge [sflag:s20], $0x50  }
0x24e: {  	[sflag:s20] =	ssyncset.done $0x0  }
0x24f: {  	[sflag:s20] =	ssyncadd.s32 $0xFFFFFFB0  }
0x250: {  	_ =	swait.ge [sflag:s23], $0x50  }
0x251: {  	s2 =	rddreg [dreg:$0x10]  }
0x252: {  	s24 =	rddreg [dreg:$0xc];
	s2 =	sadd.s32 $0x1, s2  }
0x253: {  	p1 =	sne.s32 s2, s24  }
.Ltmp7:
0x254: {  	_ = 	snop;
	(pc) =	sbr.rel @p1 .LBB2_1-.Ltmp7, $3  }
0x255: {  	_ =	sdelay $0x1  }
0x256: {  	[sflag:s23] =	ssyncset.done $0x0  }
0x257: {  	[sflag:s23] =	ssyncadd.s32 $0xFFFFFFB0  }
0x258: {  	_ =	sfence.sel $0x180000  }
0x259: {  	[bflag:$0x0] =	sbarrier.arrive $0xFFFF  }
0x25a: {  	_ =	strace $0x90000047  }
0x25b: {  	s0 =	stileid.u32;
	[bflag:$0x2] =	sbarrier.arrive $0xFFFF  }
0x25c: {  	p0 =	sne.s32 s0, $0x0;
	s0 =	rddreg [dreg:$0x4]  }
0x25d: {  	s0 =	sadd.s32 @!p0 $0x100000, s0  }
0x25e: {  	[sflag:s0] =	ssyncadd.tile.s32 @!p0 $0x1;
	_ =	shalt  }
.Lfunc_end2:
_tile_overlayer_lowered:
.L_overlay_start_2:
0x25f: {  	(tag) =	ssettag $0x2  }
0x260: {  	s0 =	rddreg [dreg:$0x0];
	s2 =	stileid.u32  }
0x261: {  	s1 =	rddreg [dreg:$0x1];
	p0 =	sne.s32 s2, $0x0  }
0x262: {  	s3 =	rddreg [dreg:$0x2];
	[bflag:$0x3] =	sbarrier.arrive $0xFFFF;
	s2 =	simm.s32 @!p0 $0x1C07  }
0x263: {  	[timem:s3], [sflag:s2] =	dma.local @!p0 [hbm:s0], s1  }
0x264: {  	s0 =	simm.s32 @!p0 $0x7  }
0x265: {  	_ =	swait.ge @!p0 [sflag:s0], s1  }
0x266: {  	s1 =	ssub.s32 @!p0 $0x0, s1;
	[sflag:s0] =	ssyncset.done @!p0 $0x0  }
0x267: {  	[sflag:s0] =	ssyncadd.s32 @!p0 s1  }
0x268: {  	[bflag:$0x3] =	sbarrier.arrive $0xFFFF  }
0x269: {  	_ =	shalt  }

</sc_bundles>
